<compile_context>
chip_gen: v7x
topology: tpu7x:2x2x1
jax: 0.10.2.dev20260603
libtpu: 0.0.44.dev20260713+nightly
codegen_flags: <defaults>
</compile_context>

<pallas_src>
import functools
import math

import jax
import jax.numpy as jnp
from jax import lax
from jax.experimental import pallas as pl
from jax.experimental.pallas import tpu as pltpu
from jax.experimental.pallas import tpu_sc as plsc

D = 128
AA_V = 24
MOD_V = 15
L_SEQ = 50
BATCH = 4096
COMB = AA_V * MOD_V
ROWS = L_SEQ * BATCH
SCALE = math.sqrt(float(AA_V))

NC = 2
NS = 16
NW = NC * NS
ROWS_PER_W = ROWS // NW
CHUNK = 128
NCHUNK = ROWS_PER_W // CHUNK
NBUF = 5
NROUND = NCHUNK // NBUF


def _prep_body(seq_ref, mods_ref, aa_ref, mod_ref, pe_ref, bt_ref, idx_ref):
    r_a = lax.broadcasted_iota(jnp.int32, (COMB, AA_V), 0)
    c_a = lax.broadcasted_iota(jnp.int32, (COMB, AA_V), 1)
    one_a = (r_a // MOD_V == c_a).astype(jnp.float32)
    r_m = lax.broadcasted_iota(jnp.int32, (COMB, MOD_V), 0)
    c_m = lax.broadcasted_iota(jnp.int32, (COMB, MOD_V), 1)
    one_m = (r_m % MOD_V == c_m).astype(jnp.float32)
    comb = (jnp.dot(one_a, aa_ref[...], preferred_element_type=jnp.float32,
                    precision=lax.Precision.HIGHEST)
            + jnp.dot(one_m, mod_ref[...], preferred_element_type=jnp.float32,
                      precision=lax.Precision.HIGHEST))
    bt_ref[...] = comb[None, :, :] * SCALE + pe_ref[...][:, None, :]
    c = seq_ref[...] * MOD_V + mods_ref[...]
    idx_ref[...] = c.T + COMB * lax.broadcasted_iota(jnp.int32, (L_SEQ, BATCH), 0)


_prep = pl.pallas_call(
    _prep_body,
    out_shape=(
        jax.ShapeDtypeStruct((L_SEQ, COMB, D), jnp.float32),
        jax.ShapeDtypeStruct((L_SEQ, BATCH), jnp.int32),
    ),
)


@functools.cache
def _sc_gather_fn():
    @functools.partial(
        pl.kernel,
        out_type=jax.ShapeDtypeStruct((ROWS, D), jnp.float32),
        mesh=plsc.VectorSubcoreMesh(core_axis_name="c", subcore_axis_name="s"),
        scratch_types=[
            pltpu.VMEM((NCHUNK, CHUNK), jnp.int32),
            pltpu.VMEM((NBUF, CHUNK, D), jnp.float32),
            pltpu.SemaphoreType.DMA((NBUF,)),
            pltpu.SemaphoreType.DMA((NBUF,)),
        ],
    )
    def _sc_gather(bt_hbm, idx_hbm, out_hbm, idx_v, rows_v, gsem, wsem):
        wid = lax.axis_index("s") * NC + lax.axis_index("c")
        base = wid * ROWS_PER_W
        pltpu.sync_copy(idx_hbm.at[wid], idx_v)

        def gather(k, j):
            pltpu.make_async_copy(
                bt_hbm.at[idx_v.at[k]], rows_v.at[j], gsem.at[j]).start()

        def write(k, j):
            return pltpu.make_async_copy(
                rows_v.at[j], out_hbm.at[pl.ds(base + k * CHUNK, CHUNK)],
                wsem.at[j])

        for j in range(NBUF):
            gather(j, j)

        def round_(p, carry):
            for j in range(NBUF):
                k = p * NBUF + j
                pltpu.make_async_copy(
                    bt_hbm.at[idx_v.at[k]], rows_v.at[j], gsem.at[j]).wait()
                write(k, j).start()
            for j in range(NBUF):
                write(p * NBUF + j, j).wait()

                @pl.when(p < NROUND - 1)
                def _():
                    gather((p + 1) * NBUF + j, j)
            return carry

        lax.fori_loop(0, NROUND, round_, 0)

    return _sc_gather


def kernel(seq, mods, aa_table, mod_table, pe):
    seq = seq.astype(jnp.int32)
    mods = mods.astype(jnp.int32)
    pe50 = pe[:L_SEQ, 0, :]
    bt, idx = _prep(seq, mods, aa_table, mod_table, pe50)
    out = _sc_gather_fn()(bt.reshape(L_SEQ * COMB, D), idx.reshape(NW, NCHUNK, CHUNK))
    return out.reshape(L_SEQ, BATCH, D)

# --- scband reference (transcript-rebuilt; emitter-appended) ---
"""Pipeline reference for scband-aasequence-embedding-12326556139539 (READ-ONLY COPY).

The authoritative reference and input builder live on the scoring server;
editing this copy changes nothing except your own understanding.
"""

import math
import jax, jax.numpy as jnp
import numpy as np

D_MODEL = 128
AA_VOCAB = 24          # constants.AAS_NUM + 1
MOD_VOCAB = 15         # len(constants.MODIFICATION) + 1
MAX_LEN = 128          # constants.MAX_TENSOR_SEQUENCE * 4 (MAX_TENSOR_SEQUENCE = 32)


def _make_pe(d_model=D_MODEL, max_len=MAX_LEN):
    pe = np.zeros((max_len, d_model), dtype=np.float32)
    position = np.arange(0, max_len, dtype=np.float32)[:, None]
    div_term = np.exp(np.arange(0, d_model, 2, dtype=np.float32) * (-math.log(10000.0) / d_model))
    pe[:, 0::2] = np.sin(position * div_term)
    pe[:, 1::2] = np.cos(position * div_term)
    pe = pe[:, None, :] / math.sqrt(d_model)   # [max_len, 1, d_model]
    return jnp.asarray(pe)


def setup_inputs(seed: int = 0) -> dict:
    key = jax.random.key(seed)
    k1, k2, k3, k4 = jax.random.split(key, 4)
    seq = jax.random.randint(k1, (4096, 50), 0, AA_VOCAB, dtype=jnp.int64 if jax.config.jax_enable_x64 else jnp.int32)
    mods = jax.random.randint(k2, (4096, 50), 0, MOD_VOCAB, dtype=jnp.int64 if jax.config.jax_enable_x64 else jnp.int32)
    initrange = 0.1
    aa_table = jax.random.uniform(k3, (AA_VOCAB, D_MODEL), minval=-initrange, maxval=initrange, dtype=jnp.float32)
    aa_table = aa_table.at[0].set(0.0)   # padding_idx=0
    mod_table = jax.random.uniform(k4, (MOD_VOCAB, D_MODEL), minval=-initrange * 0.01, maxval=initrange * 0.01, dtype=jnp.float32)
    mod_table = mod_table.at[0].set(0.0)  # padding_idx=0
    pe = _make_pe()
    return {"seq": seq, "mods": mods, "aa_table": aa_table, "mod_table": mod_table, "pe": pe}


def reference(seq, mods, aa_table, mod_table, pe):
    # mods = F.pad(mods, (0, seq.size(1) - mods.size(1))) : same length -> no-op pad
    pad = seq.shape[1] - mods.shape[1]
    mods = jnp.pad(mods, ((0, 0), (0, pad)))
    # permute(1, 0): [B, L] -> [L, B], then embedding gather -> [L, B, D]
    seq_e = jnp.take(aa_table, seq.T, axis=0)
    mod_e = jnp.take(mod_table, mods.T, axis=0)
    x = seq_e + mod_e
    x = x * math.sqrt(AA_VOCAB)
    # positional encoding: x + pe[:seq_len]
    x = x + pe[: x.shape[0], :]
    return x

if __name__ == "__main__":
    import jax
    _d = setup_inputs()
    print(jax.jit(kernel)(*tuple(_d.values())))

</pallas_src>

<mosaic_0001>
#map = affine_map<(d0, d1) -> (0, 0)>
#map1 = affine_map<(d0, d1) -> (0, 0, 0)>
module attributes {stable_mosaic.version = 14 : i64} {
  func.func @_sc_gather(%arg0: i32, %arg1: i32, %arg2: memref<18000x128xf32, #tpu.memory_space<hbm>>, %arg3: memref<32x50x128xi32, #tpu.memory_space<hbm>>, %arg4: memref<204800x128xf32, #tpu.memory_space<hbm>>, %arg5: memref<50x128xi32, #tpu.memory_space<vmem>>, %arg6: memref<5x128x128xf32, #tpu.memory_space<vmem>>, %arg7: memref<5x!tpu.dma_semaphore, #tpu.memory_space<semaphore_mem>>, %arg8: memref<5x!tpu.dma_semaphore, #tpu.memory_space<semaphore_mem>>) attributes {dimension_semantics = [#tpu.dimension_semantics<core_parallel>, #tpu.dimension_semantics<subcore_parallel>], iteration_bounds = array<i64: 2, 16>, scalar_prefetch = 0 : i64, scratch_operands = 4 : i64, tpu.core_type = #tpu.core_type<sc_vector_subcore>, window_params = [{transform_indices = #map}, {transform_indices = #map1}, {transform_indices = #map}]} {
    %mul3A = arith.constant 2 : i32
    %mul3A_0 = arith.muli %arg1, %mul3A : i32
    %add3A = arith.addi %mul3A_0, %arg0 : i32
    %mul3A_1 = arith.constant 6400 : i32
    %mul3A_2 = arith.muli %add3A, %mul3A_1 : i32
    "tpu.region"() ({
      %run_scoped3A = tpu.sem_alloc : memref<!tpu.dma_semaphore, #tpu.memory_space<semaphore_mem>>
      %dma_start3A_82 = arith.constant 0 : i32
      %dma_start3A_83 = arith.constant 0 : i32
      %dma_start3A_84 = tpu.memref_slice %arg3[%add3A, %dma_start3A_82, %dma_start3A_83] : memref<32x50x128xi32, #tpu.memory_space<hbm>> -> memref<1x50x128xi32, #tpu.memory_space<hbm>>
      %dma_start3A_85 = tpu.memref_squeeze %dma_start3A_84 : memref<1x50x128xi32, #tpu.memory_space<hbm>> -> memref<50x128xi32, #tpu.memory_space<hbm>>
      %dma_start3A_86 = arith.constant 0 : i32
      %dma_start3A_87 = arith.constant 0 : i32
      %dma_start3A_88 = tpu.memref_slice %arg3[%add3A, %dma_start3A_86, %dma_start3A_87] : memref<32x50x128xi32, #tpu.memory_space<hbm>> -> memref<1x50x128xi32, #tpu.memory_space<hbm>>
      %dma_start3A_89 = tpu.memref_squeeze %dma_start3A_88 : memref<1x50x128xi32, #tpu.memory_space<hbm>> -> memref<50x128xi32, #tpu.memory_space<hbm>>
      tpu.enqueue_dma source(%dma_start3A_89 : memref<50x128xi32, #tpu.memory_space<hbm>>) target(%arg5 : memref<50x128xi32, #tpu.memory_space<vmem>>) target_semaphore(%run_scoped3A : memref<!tpu.dma_semaphore, #tpu.memory_space<semaphore_mem>>)
      %dma_wait3A = arith.constant 0 : i32
      %dma_wait3A_90 = arith.constant 0 : i32
      %dma_wait3A_91 = tpu.memref_slice %arg3[%add3A, %dma_wait3A, %dma_wait3A_90] : memref<32x50x128xi32, #tpu.memory_space<hbm>> -> memref<1x50x128xi32, #tpu.memory_space<hbm>>
      %dma_wait3A_92 = tpu.memref_squeeze %dma_wait3A_91 : memref<1x50x128xi32, #tpu.memory_space<hbm>> -> memref<50x128xi32, #tpu.memory_space<hbm>>
      %dma_wait3A_93 = arith.constant 0 : i32
      %dma_wait3A_94 = arith.constant 0 : i32
      %dma_wait3A_95 = tpu.memref_slice %arg3[%add3A, %dma_wait3A_93, %dma_wait3A_94] : memref<32x50x128xi32, #tpu.memory_space<hbm>> -> memref<1x50x128xi32, #tpu.memory_space<hbm>>
      %dma_wait3A_96 = tpu.memref_squeeze %dma_wait3A_95 : memref<1x50x128xi32, #tpu.memory_space<hbm>> -> memref<50x128xi32, #tpu.memory_space<hbm>>
      tpu.wait_dma2 semaphore(%run_scoped3A : memref<!tpu.dma_semaphore, #tpu.memory_space<semaphore_mem>>) src(%dma_wait3A_96 : memref<50x128xi32, #tpu.memory_space<hbm>>) dst(%arg5 : memref<50x128xi32, #tpu.memory_space<vmem>>)
      tpu.yield
    }) : () -> ()
    %dma_start3A = arith.constant 0 : i32
    %dma_start3A_3 = arith.constant 0 : i32
    %dma_start3A_4 = arith.constant 0 : i32
    %dma_start3A_5 = arith.constant 0 : i32
    %dma_start3A_6 = arith.constant 0 : i32
    %dma_start3A_7 = tpu.memref_slice %arg6[%dma_start3A_3, %dma_start3A_5, %dma_start3A_6] : memref<5x128x128xf32, #tpu.memory_space<vmem>> -> memref<1x128x128xf32, #tpu.memory_space<vmem>>
    %dma_start3A_8 = tpu.memref_squeeze %dma_start3A_7 : memref<1x128x128xf32, #tpu.memory_space<vmem>> -> memref<128x128xf32, #tpu.memory_space<vmem>>
    %dma_start3A_9 = arith.constant 0 : i32
    %dma_start3A_10 = tpu.memref_slice %arg5[%dma_start3A, %dma_start3A_9] : memref<50x128xi32, #tpu.memory_space<vmem>> -> memref<1x128xi32, #tpu.memory_space<vmem>>
    %dma_start3A_11 = tpu.memref_squeeze %dma_start3A_10 : memref<1x128xi32, #tpu.memory_space<vmem>> -> memref<128xi32, #tpu.memory_space<vmem>>
    %dma_start3A_12 = arith.constant 0 : i32
    %dma_start3A_13 = arith.constant 0 : i32
    %dma_start3A_14 = tpu.memref_slice %arg2[%dma_start3A_12, %dma_start3A_13] : memref<18000x128xf32, #tpu.memory_space<hbm>> -> memref<18000x128xf32, #tpu.memory_space<hbm>>
    %dma_start3A_15 = tpu.memref_slice %arg7[%dma_start3A_4] : memref<5x!tpu.dma_semaphore, #tpu.memory_space<semaphore_mem>> -> memref<1x!tpu.dma_semaphore, #tpu.memory_space<semaphore_mem>>
    %dma_start3A_16 = tpu.memref_squeeze %dma_start3A_15 : memref<1x!tpu.dma_semaphore, #tpu.memory_space<semaphore_mem>> -> memref<!tpu.dma_semaphore, #tpu.memory_space<semaphore_mem>>
    tpu.enqueue_indirect_dma source(%dma_start3A_14 : memref<18000x128xf32, #tpu.memory_space<hbm>>) target(%dma_start3A_8 : memref<128x128xf32, #tpu.memory_space<vmem>>) offsets(%dma_start3A_11 : memref<128xi32, #tpu.memory_space<vmem>>) semaphore(%dma_start3A_16 : memref<!tpu.dma_semaphore, #tpu.memory_space<semaphore_mem>>)
    %dma_start3A_17 = arith.constant 1 : i32
    %dma_start3A_18 = arith.constant 1 : i32
    %dma_start3A_19 = arith.constant 1 : i32
    %dma_start3A_20 = arith.constant 0 : i32
    %dma_start3A_21 = arith.constant 0 : i32
    %dma_start3A_22 = tpu.memref_slice %arg6[%dma_start3A_18, %dma_start3A_20, %dma_start3A_21] : memref<5x128x128xf32, #tpu.memory_space<vmem>> -> memref<1x128x128xf32, #tpu.memory_space<vmem>>
    %dma_start3A_23 = tpu.memref_squeeze %dma_start3A_22 : memref<1x128x128xf32, #tpu.memory_space<vmem>> -> memref<128x128xf32, #tpu.memory_space<vmem>>
    %dma_start3A_24 = arith.constant 0 : i32
    %dma_start3A_25 = tpu.memref_slice %arg5[%dma_start3A_17, %dma_start3A_24] : memref<50x128xi32, #tpu.memory_space<vmem>> -> memref<1x128xi32, #tpu.memory_space<vmem>>
    %dma_start3A_26 = tpu.memref_squeeze %dma_start3A_25 : memref<1x128xi32, #tpu.memory_space<vmem>> -> memref<128xi32, #tpu.memory_space<vmem>>
    %dma_start3A_27 = arith.constant 0 : i32
    %dma_start3A_28 = arith.constant 0 : i32
    %dma_start3A_29 = tpu.memref_slice %arg2[%dma_start3A_27, %dma_start3A_28] : memref<18000x128xf32, #tpu.memory_space<hbm>> -> memref<18000x128xf32, #tpu.memory_space<hbm>>
    %dma_start3A_30 = tpu.memref_slice %arg7[%dma_start3A_19] : memref<5x!tpu.dma_semaphore, #tpu.memory_space<semaphore_mem>> -> memref<1x!tpu.dma_semaphore, #tpu.memory_space<semaphore_mem>>
    %dma_start3A_31 = tpu.memref_squeeze %dma_start3A_30 : memref<1x!tpu.dma_semaphore, #tpu.memory_space<semaphore_mem>> -> memref<!tpu.dma_semaphore, #tpu.memory_space<semaphore_mem>>
    tpu.enqueue_indirect_dma source(%dma_start3A_29 : memref<18000x128xf32, #tpu.memory_space<hbm>>) target(%dma_start3A_23 : memref<128x128xf32, #tpu.memory_space<vmem>>) offsets(%dma_start3A_26 : memref<128xi32, #tpu.memory_space<vmem>>) semaphore(%dma_start3A_31 : memref<!tpu.dma_semaphore, #tpu.memory_space<semaphore_mem>>)
    %dma_start3A_32 = arith.constant 2 : i32
    %dma_start3A_33 = arith.constant 2 : i32
    %dma_start3A_34 = arith.constant 2 : i32
    %dma_start3A_35 = arith.constant 0 : i32
    %dma_start3A_36 = arith.constant 0 : i32
    %dma_start3A_37 = tpu.memref_slice %arg6[%dma_start3A_33, %dma_start3A_35, %dma_start3A_36] : memref<5x128x128xf32, #tpu.memory_space<vmem>> -> memref<1x128x128xf32, #tpu.memory_space<vmem>>
    %dma_start3A_38 = tpu.memref_squeeze %dma_start3A_37 : memref<1x128x128xf32, #tpu.memory_space<vmem>> -> memref<128x128xf32, #tpu.memory_space<vmem>>
    %dma_start3A_39 = arith.constant 0 : i32
    %dma_start3A_40 = tpu.memref_slice %arg5[%dma_start3A_32, %dma_start3A_39] : memref<50x128xi32, #tpu.memory_space<vmem>> -> memref<1x128xi32, #tpu.memory_space<vmem>>
    %dma_start3A_41 = tpu.memref_squeeze %dma_start3A_40 : memref<1x128xi32, #tpu.memory_space<vmem>> -> memref<128xi32, #tpu.memory_space<vmem>>
    %dma_start3A_42 = arith.constant 0 : i32
    %dma_start3A_43 = arith.constant 0 : i32
    %dma_start3A_44 = tpu.memref_slice %arg2[%dma_start3A_42, %dma_start3A_43] : memref<18000x128xf32, #tpu.memory_space<hbm>> -> memref<18000x128xf32, #tpu.memory_space<hbm>>
    %dma_start3A_45 = tpu.memref_slice %arg7[%dma_start3A_34] : memref<5x!tpu.dma_semaphore, #tpu.memory_space<semaphore_mem>> -> memref<1x!tpu.dma_semaphore, #tpu.memory_space<semaphore_mem>>
    %dma_start3A_46 = tpu.memref_squeeze %dma_start3A_45 : memref<1x!tpu.dma_semaphore, #tpu.memory_space<semaphore_mem>> -> memref<!tpu.dma_semaphore, #tpu.memory_space<semaphore_mem>>
    tpu.enqueue_indirect_dma source(%dma_start3A_44 : memref<18000x128xf32, #tpu.memory_space<hbm>>) target(%dma_start3A_38 : memref<128x128xf32, #tpu.memory_space<vmem>>) offsets(%dma_start3A_41 : memref<128xi32, #tpu.memory_space<vmem>>) semaphore(%dma_start3A_46 : memref<!tpu.dma_semaphore, #tpu.memory_space<semaphore_mem>>)
    %dma_start3A_47 = arith.constant 3 : i32
    %dma_start3A_48 = arith.constant 3 : i32
    %dma_start3A_49 = arith.constant 3 : i32
    %dma_start3A_50 = arith.constant 0 : i32
    %dma_start3A_51 = arith.constant 0 : i32
    %dma_start3A_52 = tpu.memref_slice %arg6[%dma_start3A_48, %dma_start3A_50, %dma_start3A_51] : memref<5x128x128xf32, #tpu.memory_space<vmem>> -> memref<1x128x128xf32, #tpu.memory_space<vmem>>
    %dma_start3A_53 = tpu.memref_squeeze %dma_start3A_52 : memref<1x128x128xf32, #tpu.memory_space<vmem>> -> memref<128x128xf32, #tpu.memory_space<vmem>>
    %dma_start3A_54 = arith.constant 0 : i32
    %dma_start3A_55 = tpu.memref_slice %arg5[%dma_start3A_47, %dma_start3A_54] : memref<50x128xi32, #tpu.memory_space<vmem>> -> memref<1x128xi32, #tpu.memory_space<vmem>>
    %dma_start3A_56 = tpu.memref_squeeze %dma_start3A_55 : memref<1x128xi32, #tpu.memory_space<vmem>> -> memref<128xi32, #tpu.memory_space<vmem>>
    %dma_start3A_57 = arith.constant 0 : i32
    %dma_start3A_58 = arith.constant 0 : i32
    %dma_start3A_59 = tpu.memref_slice %arg2[%dma_start3A_57, %dma_start3A_58] : memref<18000x128xf32, #tpu.memory_space<hbm>> -> memref<18000x128xf32, #tpu.memory_space<hbm>>
    %dma_start3A_60 = tpu.memref_slice %arg7[%dma_start3A_49] : memref<5x!tpu.dma_semaphore, #tpu.memory_space<semaphore_mem>> -> memref<1x!tpu.dma_semaphore, #tpu.memory_space<semaphore_mem>>
    %dma_start3A_61 = tpu.memref_squeeze %dma_start3A_60 : memref<1x!tpu.dma_semaphore, #tpu.memory_space<semaphore_mem>> -> memref<!tpu.dma_semaphore, #tpu.memory_space<semaphore_mem>>
    tpu.enqueue_indirect_dma source(%dma_start3A_59 : memref<18000x128xf32, #tpu.memory_space<hbm>>) target(%dma_start3A_53 : memref<128x128xf32, #tpu.memory_space<vmem>>) offsets(%dma_start3A_56 : memref<128xi32, #tpu.memory_space<vmem>>) semaphore(%dma_start3A_61 : memref<!tpu.dma_semaphore, #tpu.memory_space<semaphore_mem>>)
    %dma_start3A_62 = arith.constant 4 : i32
    %dma_start3A_63 = arith.constant 4 : i32
    %dma_start3A_64 = arith.constant 4 : i32
    %dma_start3A_65 = arith.constant 0 : i32
    %dma_start3A_66 = arith.constant 0 : i32
    %dma_start3A_67 = tpu.memref_slice %arg6[%dma_start3A_63, %dma_start3A_65, %dma_start3A_66] : memref<5x128x128xf32, #tpu.memory_space<vmem>> -> memref<1x128x128xf32, #tpu.memory_space<vmem>>
    %dma_start3A_68 = tpu.memref_squeeze %dma_start3A_67 : memref<1x128x128xf32, #tpu.memory_space<vmem>> -> memref<128x128xf32, #tpu.memory_space<vmem>>
    %dma_start3A_69 = arith.constant 0 : i32
    %dma_start3A_70 = tpu.memref_slice %arg5[%dma_start3A_62, %dma_start3A_69] : memref<50x128xi32, #tpu.memory_space<vmem>> -> memref<1x128xi32, #tpu.memory_space<vmem>>
    %dma_start3A_71 = tpu.memref_squeeze %dma_start3A_70 : memref<1x128xi32, #tpu.memory_space<vmem>> -> memref<128xi32, #tpu.memory_space<vmem>>
    %dma_start3A_72 = arith.constant 0 : i32
    %dma_start3A_73 = arith.constant 0 : i32
    %dma_start3A_74 = tpu.memref_slice %arg2[%dma_start3A_72, %dma_start3A_73] : memref<18000x128xf32, #tpu.memory_space<hbm>> -> memref<18000x128xf32, #tpu.memory_space<hbm>>
    %dma_start3A_75 = tpu.memref_slice %arg7[%dma_start3A_64] : memref<5x!tpu.dma_semaphore, #tpu.memory_space<semaphore_mem>> -> memref<1x!tpu.dma_semaphore, #tpu.memory_space<semaphore_mem>>
    %dma_start3A_76 = tpu.memref_squeeze %dma_start3A_75 : memref<1x!tpu.dma_semaphore, #tpu.memory_space<semaphore_mem>> -> memref<!tpu.dma_semaphore, #tpu.memory_space<semaphore_mem>>
    tpu.enqueue_indirect_dma source(%dma_start3A_74 : memref<18000x128xf32, #tpu.memory_space<hbm>>) target(%dma_start3A_68 : memref<128x128xf32, #tpu.memory_space<vmem>>) offsets(%dma_start3A_71 : memref<128xi32, #tpu.memory_space<vmem>>) semaphore(%dma_start3A_76 : memref<!tpu.dma_semaphore, #tpu.memory_space<semaphore_mem>>)
    %scan3A = arith.constant 0 : i32
    %scan3A_77 = arith.constant 0 : i32
    %scan3A_78 = arith.constant 10 : i32
    %scan3A_79 = arith.addi %scan3A_77, %scan3A_78 : i32
    %scan3A_80 = arith.constant 1 : i32
    scf.for %scan3A_82 = %scan3A_77 to %scan3A_79 step %scan3A_80  : i32 {
      %mul3A_83 = arith.constant 5 : i32
      %mul3A_84 = arith.muli %scan3A_82, %mul3A_83 : i32
      %add3A_85 = arith.constant 0 : i32
      %add3A_86 = arith.addi %mul3A_84, %add3A_85 : i32
      %dma_wait3A = arith.constant 0 : i32
      %dma_wait3A_87 = arith.constant 0 : i32
      %dma_wait3A_88 = arith.constant 0 : i32
      %dma_wait3A_89 = arith.constant 0 : i32
      %dma_wait3A_90 = tpu.memref_slice %arg6[%dma_wait3A, %dma_wait3A_88, %dma_wait3A_89] : memref<5x128x128xf32, #tpu.memory_space<vmem>> -> memref<1x128x128xf32, #tpu.memory_space<vmem>>
      %dma_wait3A_91 = tpu.memref_squeeze %dma_wait3A_90 : memref<1x128x128xf32, #tpu.memory_space<vmem>> -> memref<128x128xf32, #tpu.memory_space<vmem>>
      %dma_wait3A_92 = arith.constant 0 : i32
      %dma_wait3A_93 = tpu.memref_slice %arg5[%add3A_86, %dma_wait3A_92] : memref<50x128xi32, #tpu.memory_space<vmem>> -> memref<1x128xi32, #tpu.memory_space<vmem>>
      %dma_wait3A_94 = tpu.memref_squeeze %dma_wait3A_93 : memref<1x128xi32, #tpu.memory_space<vmem>> -> memref<128xi32, #tpu.memory_space<vmem>>
      %dma_wait3A_95 = arith.constant 0 : i32
      %dma_wait3A_96 = arith.constant 0 : i32
      %dma_wait3A_97 = tpu.memref_slice %arg2[%dma_wait3A_95, %dma_wait3A_96] : memref<18000x128xf32, #tpu.memory_space<hbm>> -> memref<18000x128xf32, #tpu.memory_space<hbm>>
      %dma_wait3A_98 = tpu.memref_slice %arg7[%dma_wait3A_87] : memref<5x!tpu.dma_semaphore, #tpu.memory_space<semaphore_mem>> -> memref<1x!tpu.dma_semaphore, #tpu.memory_space<semaphore_mem>>
      %dma_wait3A_99 = tpu.memref_squeeze %dma_wait3A_98 : memref<1x!tpu.dma_semaphore, #tpu.memory_space<semaphore_mem>> -> memref<!tpu.dma_semaphore, #tpu.memory_space<semaphore_mem>>
      tpu.wait_indirect_dma semaphore(%dma_wait3A_99 : memref<!tpu.dma_semaphore, #tpu.memory_space<semaphore_mem>>) src(%dma_wait3A_97 : memref<18000x128xf32, #tpu.memory_space<hbm>>) dst(%dma_wait3A_91 : memref<128x128xf32, #tpu.memory_space<vmem>>)
      %mul3A_100 = arith.constant 128 : i32
      %mul3A_101 = arith.muli %add3A_86, %mul3A_100 : i32
      %add3A_102 = arith.addi %mul3A_2, %mul3A_101 : i32
      %dma_start3A_103 = arith.constant 0 : i32
      %dma_start3A_104 = arith.constant 0 : i32
      %dma_start3A_105 = arith.constant 0 : i32
      %dma_start3A_106 = arith.constant 0 : i32
      %dma_start3A_107 = tpu.memref_slice %arg6[%dma_start3A_103, %dma_start3A_105, %dma_start3A_106] : memref<5x128x128xf32, #tpu.memory_space<vmem>> -> memref<1x128x128xf32, #tpu.memory_space<vmem>>
      %dma_start3A_108 = tpu.memref_squeeze %dma_start3A_107 : memref<1x128x128xf32, #tpu.memory_space<vmem>> -> memref<128x128xf32, #tpu.memory_space<vmem>>
      %dma_start3A_109 = arith.constant 0 : i32
      %dma_start3A_110 = tpu.memref_slice %arg4[%add3A_102, %dma_start3A_109] : memref<204800x128xf32, #tpu.memory_space<hbm>> -> memref<128x128xf32, #tpu.memory_space<hbm>>
      %dma_start3A_111 = tpu.memref_slice %arg8[%dma_start3A_104] : memref<5x!tpu.dma_semaphore, #tpu.memory_space<semaphore_mem>> -> memref<1x!tpu.dma_semaphore, #tpu.memory_space<semaphore_mem>>
      %dma_start3A_112 = tpu.memref_squeeze %dma_start3A_111 : memref<1x!tpu.dma_semaphore, #tpu.memory_space<semaphore_mem>> -> memref<!tpu.dma_semaphore, #tpu.memory_space<semaphore_mem>>
      %dma_start3A_113 = arith.constant 0 : i32
      %dma_start3A_114 = tpu.memref_slice %arg4[%add3A_102, %dma_start3A_113] : memref<204800x128xf32, #tpu.memory_space<hbm>> -> memref<128x128xf32, #tpu.memory_space<hbm>>
      %dma_start3A_115 = arith.constant 0 : i32
      %dma_start3A_116 = arith.constant 0 : i32
      %dma_start3A_117 = tpu.memref_slice %arg6[%dma_start3A_103, %dma_start3A_115, %dma_start3A_116] : memref<5x128x128xf32, #tpu.memory_space<vmem>> -> memref<1x128x128xf32, #tpu.memory_space<vmem>>
      %dma_start3A_118 = tpu.memref_squeeze %dma_start3A_117 : memref<1x128x128xf32, #tpu.memory_space<vmem>> -> memref<128x128xf32, #tpu.memory_space<vmem>>
      tpu.enqueue_dma source(%dma_start3A_118 : memref<128x128xf32, #tpu.memory_space<vmem>>) target(%dma_start3A_114 : memref<128x128xf32, #tpu.memory_space<hbm>>) target_semaphore(%dma_start3A_112 : memref<!tpu.dma_semaphore, #tpu.memory_space<semaphore_mem>>)
      %mul3A_119 = arith.constant 5 : i32
      %mul3A_120 = arith.muli %scan3A_82, %mul3A_119 : i32
      %add3A_121 = arith.constant 1 : i32
      %add3A_122 = arith.addi %mul3A_120, %add3A_121 : i32
      %dma_wait3A_123 = arith.constant 1 : i32
      %dma_wait3A_124 = arith.constant 1 : i32
      %dma_wait3A_125 = arith.constant 0 : i32
      %dma_wait3A_126 = arith.constant 0 : i32
      %dma_wait3A_127 = tpu.memref_slice %arg6[%dma_wait3A_123, %dma_wait3A_125, %dma_wait3A_126] : memref<5x128x128xf32, #tpu.memory_space<vmem>> -> memref<1x128x128xf32, #tpu.memory_space<vmem>>
      %dma_wait3A_128 = tpu.memref_squeeze %dma_wait3A_127 : memref<1x128x128xf32, #tpu.memory_space<vmem>> -> memref<128x128xf32, #tpu.memory_space<vmem>>
      %dma_wait3A_129 = arith.constant 0 : i32
      %dma_wait3A_130 = tpu.memref_slice %arg5[%add3A_122, %dma_wait3A_129] : memref<50x128xi32, #tpu.memory_space<vmem>> -> memref<1x128xi32, #tpu.memory_space<vmem>>
      %dma_wait3A_131 = tpu.memref_squeeze %dma_wait3A_130 : memref<1x128xi32, #tpu.memory_space<vmem>> -> memref<128xi32, #tpu.memory_space<vmem>>
      %dma_wait3A_132 = arith.constant 0 : i32
      %dma_wait3A_133 = arith.constant 0 : i32
      %dma_wait3A_134 = tpu.memref_slice %arg2[%dma_wait3A_132, %dma_wait3A_133] : memref<18000x128xf32, #tpu.memory_space<hbm>> -> memref<18000x128xf32, #tpu.memory_space<hbm>>
      %dma_wait3A_135 = tpu.memref_slice %arg7[%dma_wait3A_124] : memref<5x!tpu.dma_semaphore, #tpu.memory_space<semaphore_mem>> -> memref<1x!tpu.dma_semaphore, #tpu.memory_space<semaphore_mem>>
      %dma_wait3A_136 = tpu.memref_squeeze %dma_wait3A_135 : memref<1x!tpu.dma_semaphore, #tpu.memory_space<semaphore_mem>> -> memref<!tpu.dma_semaphore, #tpu.memory_space<semaphore_mem>>
      tpu.wait_indirect_dma semaphore(%dma_wait3A_136 : memref<!tpu.dma_semaphore, #tpu.memory_space<semaphore_mem>>) src(%dma_wait3A_134 : memref<18000x128xf32, #tpu.memory_space<hbm>>) dst(%dma_wait3A_128 : memref<128x128xf32, #tpu.memory_space<vmem>>)
      %mul3A_137 = arith.constant 128 : i32
      %mul3A_138 = arith.muli %add3A_122, %mul3A_137 : i32
      %add3A_139 = arith.addi %mul3A_2, %mul3A_138 : i32
      %dma_start3A_140 = arith.constant 1 : i32
      %dma_start3A_141 = arith.constant 1 : i32
      %dma_start3A_142 = arith.constant 0 : i32
      %dma_start3A_143 = arith.constant 0 : i32
      %dma_start3A_144 = tpu.memref_slice %arg6[%dma_start3A_140, %dma_start3A_142, %dma_start3A_143] : memref<5x128x128xf32, #tpu.memory_space<vmem>> -> memref<1x128x128xf32, #tpu.memory_space<vmem>>
      %dma_start3A_145 = tpu.memref_squeeze %dma_start3A_144 : memref<1x128x128xf32, #tpu.memory_space<vmem>> -> memref<128x128xf32, #tpu.memory_space<vmem>>
      %dma_start3A_146 = arith.constant 0 : i32
      %dma_start3A_147 = tpu.memref_slice %arg4[%add3A_139, %dma_start3A_146] : memref<204800x128xf32, #tpu.memory_space<hbm>> -> memref<128x128xf32, #tpu.memory_space<hbm>>
      %dma_start3A_148 = tpu.memref_slice %arg8[%dma_start3A_141] : memref<5x!tpu.dma_semaphore, #tpu.memory_space<semaphore_mem>> -> memref<1x!tpu.dma_semaphore, #tpu.memory_space<semaphore_mem>>
      %dma_start3A_149 = tpu.memref_squeeze %dma_start3A_148 : memref<1x!tpu.dma_semaphore, #tpu.memory_space<semaphore_mem>> -> memref<!tpu.dma_semaphore, #tpu.memory_space<semaphore_mem>>
      %dma_start3A_150 = arith.constant 0 : i32
      %dma_start3A_151 = tpu.memref_slice %arg4[%add3A_139, %dma_start3A_150] : memref<204800x128xf32, #tpu.memory_space<hbm>> -> memref<128x128xf32, #tpu.memory_space<hbm>>
      %dma_start3A_152 = arith.constant 0 : i32
      %dma_start3A_153 = arith.constant 0 : i32
      %dma_start3A_154 = tpu.memref_slice %arg6[%dma_start3A_140, %dma_start3A_152, %dma_start3A_153] : memref<5x128x128xf32, #tpu.memory_space<vmem>> -> memref<1x128x128xf32, #tpu.memory_space<vmem>>
      %dma_start3A_155 = tpu.memref_squeeze %dma_start3A_154 : memref<1x128x128xf32, #tpu.memory_space<vmem>> -> memref<128x128xf32, #tpu.memory_space<vmem>>
      tpu.enqueue_dma source(%dma_start3A_155 : memref<128x128xf32, #tpu.memory_space<vmem>>) target(%dma_start3A_151 : memref<128x128xf32, #tpu.memory_space<hbm>>) target_semaphore(%dma_start3A_149 : memref<!tpu.dma_semaphore, #tpu.memory_space<semaphore_mem>>)
      %mul3A_156 = arith.constant 5 : i32
      %mul3A_157 = arith.muli %scan3A_82, %mul3A_156 : i32
      %add3A_158 = arith.constant 2 : i32
      %add3A_159 = arith.addi %mul3A_157, %add3A_158 : i32
      %dma_wait3A_160 = arith.constant 2 : i32
      %dma_wait3A_161 = arith.constant 2 : i32
      %dma_wait3A_162 = arith.constant 0 : i32
      %dma_wait3A_163 = arith.constant 0 : i32
      %dma_wait3A_164 = tpu.memref_slice %arg6[%dma_wait3A_160, %dma_wait3A_162, %dma_wait3A_163] : memref<5x128x128xf32, #tpu.memory_space<vmem>> -> memref<1x128x128xf32, #tpu.memory_space<vmem>>
      %dma_wait3A_165 = tpu.memref_squeeze %dma_wait3A_164 : memref<1x128x128xf32, #tpu.memory_space<vmem>> -> memref<128x128xf32, #tpu.memory_space<vmem>>
      %dma_wait3A_166 = arith.constant 0 : i32
      %dma_wait3A_167 = tpu.memref_slice %arg5[%add3A_159, %dma_wait3A_166] : memref<50x128xi32, #tpu.memory_space<vmem>> -> memref<1x128xi32, #tpu.memory_space<vmem>>
      %dma_wait3A_168 = tpu.memref_squeeze %dma_wait3A_167 : memref<1x128xi32, #tpu.memory_space<vmem>> -> memref<128xi32, #tpu.memory_space<vmem>>
      %dma_wait3A_169 = arith.constant 0 : i32
      %dma_wait3A_170 = arith.constant 0 : i32
      %dma_wait3A_171 = tpu.memref_slice %arg2[%dma_wait3A_169, %dma_wait3A_170] : memref<18000x128xf32, #tpu.memory_space<hbm>> -> memref<18000x128xf32, #tpu.memory_space<hbm>>
      %dma_wait3A_172 = tpu.memref_slice %arg7[%dma_wait3A_161] : memref<5x!tpu.dma_semaphore, #tpu.memory_space<semaphore_mem>> -> memref<1x!tpu.dma_semaphore, #tpu.memory_space<semaphore_mem>>
      %dma_wait3A_173 = tpu.memref_squeeze %dma_wait3A_172 : memref<1x!tpu.dma_semaphore, #tpu.memory_space<semaphore_mem>> -> memref<!tpu.dma_semaphore, #tpu.memory_space<semaphore_mem>>
      tpu.wait_indirect_dma semaphore(%dma_wait3A_173 : memref<!tpu.dma_semaphore, #tpu.memory_space<semaphore_mem>>) src(%dma_wait3A_171 : memref<18000x128xf32, #tpu.memory_space<hbm>>) dst(%dma_wait3A_165 : memref<128x128xf32, #tpu.memory_space<vmem>>)
      %mul3A_174 = arith.constant 128 : i32
      %mul3A_175 = arith.muli %add3A_159, %mul3A_174 : i32
      %add3A_176 = arith.addi %mul3A_2, %mul3A_175 : i32
      %dma_start3A_177 = arith.constant 2 : i32
      %dma_start3A_178 = arith.constant 2 : i32
      %dma_start3A_179 = arith.constant 0 : i32
      %dma_start3A_180 = arith.constant 0 : i32
      %dma_start3A_181 = tpu.memref_slice %arg6[%dma_start3A_177, %dma_start3A_179, %dma_start3A_180] : memref<5x128x128xf32, #tpu.memory_space<vmem>> -> memref<1x128x128xf32, #tpu.memory_space<vmem>>
      %dma_start3A_182 = tpu.memref_squeeze %dma_start3A_181 : memref<1x128x128xf32, #tpu.memory_space<vmem>> -> memref<128x128xf32, #tpu.memory_space<vmem>>
      %dma_start3A_183 = arith.constant 0 : i32
      %dma_start3A_184 = tpu.memref_slice %arg4[%add3A_176, %dma_start3A_183] : memref<204800x128xf32, #tpu.memory_space<hbm>> -> memref<128x128xf32, #tpu.memory_space<hbm>>
      %dma_start3A_185 = tpu.memref_slice %arg8[%dma_start3A_178] : memref<5x!tpu.dma_semaphore, #tpu.memory_space<semaphore_mem>> -> memref<1x!tpu.dma_semaphore, #tpu.memory_space<semaphore_mem>>
      %dma_start3A_186 = tpu.memref_squeeze %dma_start3A_185 : memref<1x!tpu.dma_semaphore, #tpu.memory_space<semaphore_mem>> -> memref<!tpu.dma_semaphore, #tpu.memory_space<semaphore_mem>>
      %dma_start3A_187 = arith.constant 0 : i32
      %dma_start3A_188 = tpu.memref_slice %arg4[%add3A_176, %dma_start3A_187] : memref<204800x128xf32, #tpu.memory_space<hbm>> -> memref<128x128xf32, #tpu.memory_space<hbm>>
      %dma_start3A_189 = arith.constant 0 : i32
      %dma_start3A_190 = arith.constant 0 : i32
      %dma_start3A_191 = tpu.memref_slice %arg6[%dma_start3A_177, %dma_start3A_189, %dma_start3A_190] : memref<5x128x128xf32, #tpu.memory_space<vmem>> -> memref<1x128x128xf32, #tpu.memory_space<vmem>>
      %dma_start3A_192 = tpu.memref_squeeze %dma_start3A_191 : memref<1x128x128xf32, #tpu.memory_space<vmem>> -> memref<128x128xf32, #tpu.memory_space<vmem>>
      tpu.enqueue_dma source(%dma_start3A_192 : memref<128x128xf32, #tpu.memory_space<vmem>>) target(%dma_start3A_188 : memref<128x128xf32, #tpu.memory_space<hbm>>) target_semaphore(%dma_start3A_186 : memref<!tpu.dma_semaphore, #tpu.memory_space<semaphore_mem>>)
      %mul3A_193 = arith.constant 5 : i32
      %mul3A_194 = arith.muli %scan3A_82, %mul3A_193 : i32
      %add3A_195 = arith.constant 3 : i32
      %add3A_196 = arith.addi %mul3A_194, %add3A_195 : i32
      %dma_wait3A_197 = arith.constant 3 : i32
      %dma_wait3A_198 = arith.constant 3 : i32
      %dma_wait3A_199 = arith.constant 0 : i32
      %dma_wait3A_200 = arith.constant 0 : i32
      %dma_wait3A_201 = tpu.memref_slice %arg6[%dma_wait3A_197, %dma_wait3A_199, %dma_wait3A_200] : memref<5x128x128xf32, #tpu.memory_space<vmem>> -> memref<1x128x128xf32, #tpu.memory_space<vmem>>
      %dma_wait3A_202 = tpu.memref_squeeze %dma_wait3A_201 : memref<1x128x128xf32, #tpu.memory_space<vmem>> -> memref<128x128xf32, #tpu.memory_space<vmem>>
      %dma_wait3A_203 = arith.constant 0 : i32
      %dma_wait3A_204 = tpu.memref_slice %arg5[%add3A_196, %dma_wait3A_203] : memref<50x128xi32, #tpu.memory_space<vmem>> -> memref<1x128xi32, #tpu.memory_space<vmem>>
      %dma_wait3A_205 = tpu.memref_squeeze %dma_wait3A_204 : memref<1x128xi32, #tpu.memory_space<vmem>> -> memref<128xi32, #tpu.memory_space<vmem>>
      %dma_wait3A_206 = arith.constant 0 : i32
      %dma_wait3A_207 = arith.constant 0 : i32
      %dma_wait3A_208 = tpu.memref_slice %arg2[%dma_wait3A_206, %dma_wait3A_207] : memref<18000x128xf32, #tpu.memory_space<hbm>> -> memref<18000x128xf32, #tpu.memory_space<hbm>>
      %dma_wait3A_209 = tpu.memref_slice %arg7[%dma_wait3A_198] : memref<5x!tpu.dma_semaphore, #tpu.memory_space<semaphore_mem>> -> memref<1x!tpu.dma_semaphore, #tpu.memory_space<semaphore_mem>>
      %dma_wait3A_210 = tpu.memref_squeeze %dma_wait3A_209 : memref<1x!tpu.dma_semaphore, #tpu.memory_space<semaphore_mem>> -> memref<!tpu.dma_semaphore, #tpu.memory_space<semaphore_mem>>
      tpu.wait_indirect_dma semaphore(%dma_wait3A_210 : memref<!tpu.dma_semaphore, #tpu.memory_space<semaphore_mem>>) src(%dma_wait3A_208 : memref<18000x128xf32, #tpu.memory_space<hbm>>) dst(%dma_wait3A_202 : memref<128x128xf32, #tpu.memory_space<vmem>>)
      %mul3A_211 = arith.constant 128 : i32
      %mul3A_212 = arith.muli %add3A_196, %mul3A_211 : i32
      %add3A_213 = arith.addi %mul3A_2, %mul3A_212 : i32
      %dma_start3A_214 = arith.constant 3 : i32
      %dma_start3A_215 = arith.constant 3 : i32
      %dma_start3A_216 = arith.constant 0 : i32
      %dma_start3A_217 = arith.constant 0 : i32
      %dma_start3A_218 = tpu.memref_slice %arg6[%dma_start3A_214, %dma_start3A_216, %dma_start3A_217] : memref<5x128x128xf32, #tpu.memory_space<vmem>> -> memref<1x128x128xf32, #tpu.memory_space<vmem>>
      %dma_start3A_219 = tpu.memref_squeeze %dma_start3A_218 : memref<1x128x128xf32, #tpu.memory_space<vmem>> -> memref<128x128xf32, #tpu.memory_space<vmem>>
      %dma_start3A_220 = arith.constant 0 : i32
      %dma_start3A_221 = tpu.memref_slice %arg4[%add3A_213, %dma_start3A_220] : memref<204800x128xf32, #tpu.memory_space<hbm>> -> memref<128x128xf32, #tpu.memory_space<hbm>>
      %dma_start3A_222 = tpu.memref_slice %arg8[%dma_start3A_215] : memref<5x!tpu.dma_semaphore, #tpu.memory_space<semaphore_mem>> -> memref<1x!tpu.dma_semaphore, #tpu.memory_space<semaphore_mem>>
      %dma_start3A_223 = tpu.memref_squeeze %dma_start3A_222 : memref<1x!tpu.dma_semaphore, #tpu.memory_space<semaphore_mem>> -> memref<!tpu.dma_semaphore, #tpu.memory_space<semaphore_mem>>
      %dma_start3A_224 = arith.constant 0 : i32
      %dma_start3A_225 = tpu.memref_slice %arg4[%add3A_213, %dma_start3A_224] : memref<204800x128xf32, #tpu.memory_space<hbm>> -> memref<128x128xf32, #tpu.memory_space<hbm>>
      %dma_start3A_226 = arith.constant 0 : i32
      %dma_start3A_227 = arith.constant 0 : i32
      %dma_start3A_228 = tpu.memref_slice %arg6[%dma_start3A_214, %dma_start3A_226, %dma_start3A_227] : memref<5x128x128xf32, #tpu.memory_space<vmem>> -> memref<1x128x128xf32, #tpu.memory_space<vmem>>
      %dma_start3A_229 = tpu.memref_squeeze %dma_start3A_228 : memref<1x128x128xf32, #tpu.memory_space<vmem>> -> memref<128x128xf32, #tpu.memory_space<vmem>>
      tpu.enqueue_dma source(%dma_start3A_229 : memref<128x128xf32, #tpu.memory_space<vmem>>) target(%dma_start3A_225 : memref<128x128xf32, #tpu.memory_space<hbm>>) target_semaphore(%dma_start3A_223 : memref<!tpu.dma_semaphore, #tpu.memory_space<semaphore_mem>>)
      %mul3A_230 = arith.constant 5 : i32
      %mul3A_231 = arith.muli %scan3A_82, %mul3A_230 : i32
      %add3A_232 = arith.constant 4 : i32
      %add3A_233 = arith.addi %mul3A_231, %add3A_232 : i32
      %dma_wait3A_234 = arith.constant 4 : i32
      %dma_wait3A_235 = arith.constant 4 : i32
      %dma_wait3A_236 = arith.constant 0 : i32
      %dma_wait3A_237 = arith.constant 0 : i32
      %dma_wait3A_238 = tpu.memref_slice %arg6[%dma_wait3A_234, %dma_wait3A_236, %dma_wait3A_237] : memref<5x128x128xf32, #tpu.memory_space<vmem>> -> memref<1x128x128xf32, #tpu.memory_space<vmem>>
      %dma_wait3A_239 = tpu.memref_squeeze %dma_wait3A_238 : memref<1x128x128xf32, #tpu.memory_space<vmem>> -> memref<128x128xf32, #tpu.memory_space<vmem>>
      %dma_wait3A_240 = arith.constant 0 : i32
      %dma_wait3A_241 = tpu.memref_slice %arg5[%add3A_233, %dma_wait3A_240] : memref<50x128xi32, #tpu.memory_space<vmem>> -> memref<1x128xi32, #tpu.memory_space<vmem>>
      %dma_wait3A_242 = tpu.memref_squeeze %dma_wait3A_241 : memref<1x128xi32, #tpu.memory_space<vmem>> -> memref<128xi32, #tpu.memory_space<vmem>>
      %dma_wait3A_243 = arith.constant 0 : i32
      %dma_wait3A_244 = arith.constant 0 : i32
      %dma_wait3A_245 = tpu.memref_slice %arg2[%dma_wait3A_243, %dma_wait3A_244] : memref<18000x128xf32, #tpu.memory_space<hbm>> -> memref<18000x128xf32, #tpu.memory_space<hbm>>
      %dma_wait3A_246 = tpu.memref_slice %arg7[%dma_wait3A_235] : memref<5x!tpu.dma_semaphore, #tpu.memory_space<semaphore_mem>> -> memref<1x!tpu.dma_semaphore, #tpu.memory_space<semaphore_mem>>
      %dma_wait3A_247 = tpu.memref_squeeze %dma_wait3A_246 : memref<1x!tpu.dma_semaphore, #tpu.memory_space<semaphore_mem>> -> memref<!tpu.dma_semaphore, #tpu.memory_space<semaphore_mem>>
      tpu.wait_indirect_dma semaphore(%dma_wait3A_247 : memref<!tpu.dma_semaphore, #tpu.memory_space<semaphore_mem>>) src(%dma_wait3A_245 : memref<18000x128xf32, #tpu.memory_space<hbm>>) dst(%dma_wait3A_239 : memref<128x128xf32, #tpu.memory_space<vmem>>)
      %mul3A_248 = arith.constant 128 : i32
      %mul3A_249 = arith.muli %add3A_233, %mul3A_248 : i32
      %add3A_250 = arith.addi %mul3A_2, %mul3A_249 : i32
      %dma_start3A_251 = arith.constant 4 : i32
      %dma_start3A_252 = arith.constant 4 : i32
      %dma_start3A_253 = arith.constant 0 : i32
      %dma_start3A_254 = arith.constant 0 : i32
      %dma_start3A_255 = tpu.memref_slice %arg6[%dma_start3A_251, %dma_start3A_253, %dma_start3A_254] : memref<5x128x128xf32, #tpu.memory_space<vmem>> -> memref<1x128x128xf32, #tpu.memory_space<vmem>>
      %dma_start3A_256 = tpu.memref_squeeze %dma_start3A_255 : memref<1x128x128xf32, #tpu.memory_space<vmem>> -> memref<128x128xf32, #tpu.memory_space<vmem>>
      %dma_start3A_257 = arith.constant 0 : i32
      %dma_start3A_258 = tpu.memref_slice %arg4[%add3A_250, %dma_start3A_257] : memref<204800x128xf32, #tpu.memory_space<hbm>> -> memref<128x128xf32, #tpu.memory_space<hbm>>
      %dma_start3A_259 = tpu.memref_slice %arg8[%dma_start3A_252] : memref<5x!tpu.dma_semaphore, #tpu.memory_space<semaphore_mem>> -> memref<1x!tpu.dma_semaphore, #tpu.memory_space<semaphore_mem>>
      %dma_start3A_260 = tpu.memref_squeeze %dma_start3A_259 : memref<1x!tpu.dma_semaphore, #tpu.memory_space<semaphore_mem>> -> memref<!tpu.dma_semaphore, #tpu.memory_space<semaphore_mem>>
      %dma_start3A_261 = arith.constant 0 : i32
      %dma_start3A_262 = tpu.memref_slice %arg4[%add3A_250, %dma_start3A_261] : memref<204800x128xf32, #tpu.memory_space<hbm>> -> memref<128x128xf32, #tpu.memory_space<hbm>>
      %dma_start3A_263 = arith.constant 0 : i32
      %dma_start3A_264 = arith.constant 0 : i32
      %dma_start3A_265 = tpu.memref_slice %arg6[%dma_start3A_251, %dma_start3A_263, %dma_start3A_264] : memref<5x128x128xf32, #tpu.memory_space<vmem>> -> memref<1x128x128xf32, #tpu.memory_space<vmem>>
      %dma_start3A_266 = tpu.memref_squeeze %dma_start3A_265 : memref<1x128x128xf32, #tpu.memory_space<vmem>> -> memref<128x128xf32, #tpu.memory_space<vmem>>
      tpu.enqueue_dma source(%dma_start3A_266 : memref<128x128xf32, #tpu.memory_space<vmem>>) target(%dma_start3A_262 : memref<128x128xf32, #tpu.memory_space<hbm>>) target_semaphore(%dma_start3A_260 : memref<!tpu.dma_semaphore, #tpu.memory_space<semaphore_mem>>)
      %mul3A_267 = arith.constant 5 : i32
      %mul3A_268 = arith.muli %scan3A_82, %mul3A_267 : i32
      %add3A_269 = arith.constant 0 : i32
      %add3A_270 = arith.addi %mul3A_268, %add3A_269 : i32
      %mul3A_271 = arith.constant 128 : i32
      %mul3A_272 = arith.muli %add3A_270, %mul3A_271 : i32
      %add3A_273 = arith.addi %mul3A_2, %mul3A_272 : i32
      %dma_wait3A_274 = arith.constant 0 : i32
      %dma_wait3A_275 = arith.constant 0 : i32
      %dma_wait3A_276 = arith.constant 0 : i32
      %dma_wait3A_277 = arith.constant 0 : i32
      %dma_wait3A_278 = tpu.memref_slice %arg6[%dma_wait3A_274, %dma_wait3A_276, %dma_wait3A_277] : memref<5x128x128xf32, #tpu.memory_space<vmem>> -> memref<1x128x128xf32, #tpu.memory_space<vmem>>
      %dma_wait3A_279 = tpu.memref_squeeze %dma_wait3A_278 : memref<1x128x128xf32, #tpu.memory_space<vmem>> -> memref<128x128xf32, #tpu.memory_space<vmem>>
      %dma_wait3A_280 = arith.constant 0 : i32
      %dma_wait3A_281 = tpu.memref_slice %arg4[%add3A_273, %dma_wait3A_280] : memref<204800x128xf32, #tpu.memory_space<hbm>> -> memref<128x128xf32, #tpu.memory_space<hbm>>
      %dma_wait3A_282 = tpu.memref_slice %arg8[%dma_wait3A_275] : memref<5x!tpu.dma_semaphore, #tpu.memory_space<semaphore_mem>> -> memref<1x!tpu.dma_semaphore, #tpu.memory_space<semaphore_mem>>
      %dma_wait3A_283 = tpu.memref_squeeze %dma_wait3A_282 : memref<1x!tpu.dma_semaphore, #tpu.memory_space<semaphore_mem>> -> memref<!tpu.dma_semaphore, #tpu.memory_space<semaphore_mem>>
      %dma_wait3A_284 = arith.constant 0 : i32
      %dma_wait3A_285 = tpu.memref_slice %arg4[%add3A_273, %dma_wait3A_284] : memref<204800x128xf32, #tpu.memory_space<hbm>> -> memref<128x128xf32, #tpu.memory_space<hbm>>
      %dma_wait3A_286 = arith.constant 0 : i32
      %dma_wait3A_287 = arith.constant 0 : i32
      %dma_wait3A_288 = tpu.memref_slice %arg6[%dma_wait3A_274, %dma_wait3A_286, %dma_wait3A_287] : memref<5x128x128xf32, #tpu.memory_space<vmem>> -> memref<1x128x128xf32, #tpu.memory_space<vmem>>
      %dma_wait3A_289 = tpu.memref_squeeze %dma_wait3A_288 : memref<1x128x128xf32, #tpu.memory_space<vmem>> -> memref<128x128xf32, #tpu.memory_space<vmem>>
      tpu.wait_dma2 semaphore(%dma_wait3A_283 : memref<!tpu.dma_semaphore, #tpu.memory_space<semaphore_mem>>) src(%dma_wait3A_289 : memref<128x128xf32, #tpu.memory_space<vmem>>) dst(%dma_wait3A_285 : memref<128x128xf32, #tpu.memory_space<hbm>>)
      %lt3A = arith.constant 9 : i32
      %lt3A_290 = arith.cmpi slt, %scan3A_82, %lt3A : i32
      %convert_element_type3A = arith.extui %lt3A_290 : i1 to i32
      %cond3A = arith.constant 0 : i32
      %cond3A_291 = arith.cmpi ne, %convert_element_type3A, %cond3A : i32
      scf.if %cond3A_291 {
        %add3A_404 = arith.constant 1 : i32
        %add3A_405 = arith.addi %scan3A_82, %add3A_404 : i32
        %mul3A_406 = arith.constant 5 : i32
        %mul3A_407 = arith.muli %add3A_405, %mul3A_406 : i32
        %add3A_408 = arith.constant 0 : i32
        %add3A_409 = arith.addi %mul3A_407, %add3A_408 : i32
        %dma_start3A_410 = arith.constant 0 : i32
        %dma_start3A_411 = arith.constant 0 : i32
        %dma_start3A_412 = arith.constant 0 : i32
        %dma_start3A_413 = arith.constant 0 : i32
        %dma_start3A_414 = tpu.memref_slice %arg6[%dma_start3A_410, %dma_start3A_412, %dma_start3A_413] : memref<5x128x128xf32, #tpu.memory_space<vmem>> -> memref<1x128x128xf32, #tpu.memory_space<vmem>>
        %dma_start3A_415 = tpu.memref_squeeze %dma_start3A_414 : memref<1x128x128xf32, #tpu.memory_space<vmem>> -> memref<128x128xf32, #tpu.memory_space<vmem>>
        %dma_start3A_416 = arith.constant 0 : i32
        %dma_start3A_417 = tpu.memref_slice %arg5[%add3A_409, %dma_start3A_416] : memref<50x128xi32, #tpu.memory_space<vmem>> -> memref<1x128xi32, #tpu.memory_space<vmem>>
        %dma_start3A_418 = tpu.memref_squeeze %dma_start3A_417 : memref<1x128xi32, #tpu.memory_space<vmem>> -> memref<128xi32, #tpu.memory_space<vmem>>
        %dma_start3A_419 = arith.constant 0 : i32
        %dma_start3A_420 = arith.constant 0 : i32
        %dma_start3A_421 = tpu.memref_slice %arg2[%dma_start3A_419, %dma_start3A_420] : memref<18000x128xf32, #tpu.memory_space<hbm>> -> memref<18000x128xf32, #tpu.memory_space<hbm>>
        %dma_start3A_422 = tpu.memref_slice %arg7[%dma_start3A_411] : memref<5x!tpu.dma_semaphore, #tpu.memory_space<semaphore_mem>> -> memref<1x!tpu.dma_semaphore, #tpu.memory_space<semaphore_mem>>
        %dma_start3A_423 = tpu.memref_squeeze %dma_start3A_422 : memref<1x!tpu.dma_semaphore, #tpu.memory_space<semaphore_mem>> -> memref<!tpu.dma_semaphore, #tpu.memory_space<semaphore_mem>>
        tpu.enqueue_indirect_dma source(%dma_start3A_421 : memref<18000x128xf32, #tpu.memory_space<hbm>>) target(%dma_start3A_415 : memref<128x128xf32, #tpu.memory_space<vmem>>) offsets(%dma_start3A_418 : memref<128xi32, #tpu.memory_space<vmem>>) semaphore(%dma_start3A_423 : memref<!tpu.dma_semaphore, #tpu.memory_space<semaphore_mem>>)
      } else {
      }
      %mul3A_292 = arith.constant 5 : i32
      %mul3A_293 = arith.muli %scan3A_82, %mul3A_292 : i32
      %add3A_294 = arith.constant 1 : i32
      %add3A_295 = arith.addi %mul3A_293, %add3A_294 : i32
      %mul3A_296 = arith.constant 128 : i32
      %mul3A_297 = arith.muli %add3A_295, %mul3A_296 : i32
      %add3A_298 = arith.addi %mul3A_2, %mul3A_297 : i32
      %dma_wait3A_299 = arith.constant 1 : i32
      %dma_wait3A_300 = arith.constant 1 : i32
      %dma_wait3A_301 = arith.constant 0 : i32
      %dma_wait3A_302 = arith.constant 0 : i32
      %dma_wait3A_303 = tpu.memref_slice %arg6[%dma_wait3A_299, %dma_wait3A_301, %dma_wait3A_302] : memref<5x128x128xf32, #tpu.memory_space<vmem>> -> memref<1x128x128xf32, #tpu.memory_space<vmem>>
      %dma_wait3A_304 = tpu.memref_squeeze %dma_wait3A_303 : memref<1x128x128xf32, #tpu.memory_space<vmem>> -> memref<128x128xf32, #tpu.memory_space<vmem>>
      %dma_wait3A_305 = arith.constant 0 : i32
      %dma_wait3A_306 = tpu.memref_slice %arg4[%add3A_298, %dma_wait3A_305] : memref<204800x128xf32, #tpu.memory_space<hbm>> -> memref<128x128xf32, #tpu.memory_space<hbm>>
      %dma_wait3A_307 = tpu.memref_slice %arg8[%dma_wait3A_300] : memref<5x!tpu.dma_semaphore, #tpu.memory_space<semaphore_mem>> -> memref<1x!tpu.dma_semaphore, #tpu.memory_space<semaphore_mem>>
      %dma_wait3A_308 = tpu.memref_squeeze %dma_wait3A_307 : memref<1x!tpu.dma_semaphore, #tpu.memory_space<semaphore_mem>> -> memref<!tpu.dma_semaphore, #tpu.memory_space<semaphore_mem>>
      %dma_wait3A_309 = arith.constant 0 : i32
      %dma_wait3A_310 = tpu.memref_slice %arg4[%add3A_298, %dma_wait3A_309] : memref<204800x128xf32, #tpu.memory_space<hbm>> -> memref<128x128xf32, #tpu.memory_space<hbm>>
      %dma_wait3A_311 = arith.constant 0 : i32
      %dma_wait3A_312 = arith.constant 0 : i32
      %dma_wait3A_313 = tpu.memref_slice %arg6[%dma_wait3A_299, %dma_wait3A_311, %dma_wait3A_312] : memref<5x128x128xf32, #tpu.memory_space<vmem>> -> memref<1x128x128xf32, #tpu.memory_space<vmem>>
      %dma_wait3A_314 = tpu.memref_squeeze %dma_wait3A_313 : memref<1x128x128xf32, #tpu.memory_space<vmem>> -> memref<128x128xf32, #tpu.memory_space<vmem>>
      tpu.wait_dma2 semaphore(%dma_wait3A_308 : memref<!tpu.dma_semaphore, #tpu.memory_space<semaphore_mem>>) src(%dma_wait3A_314 : memref<128x128xf32, #tpu.memory_space<vmem>>) dst(%dma_wait3A_310 : memref<128x128xf32, #tpu.memory_space<hbm>>)
      %lt3A_315 = arith.constant 9 : i32
      %lt3A_316 = arith.cmpi slt, %scan3A_82, %lt3A_315 : i32
      %convert_element_type3A_317 = arith.extui %lt3A_316 : i1 to i32
      %cond3A_318 = arith.constant 0 : i32
      %cond3A_319 = arith.cmpi ne, %convert_element_type3A_317, %cond3A_318 : i32
      scf.if %cond3A_319 {
        %add3A_404 = arith.constant 1 : i32
        %add3A_405 = arith.addi %scan3A_82, %add3A_404 : i32
        %mul3A_406 = arith.constant 5 : i32
        %mul3A_407 = arith.muli %add3A_405, %mul3A_406 : i32
        %add3A_408 = arith.constant 1 : i32
        %add3A_409 = arith.addi %mul3A_407, %add3A_408 : i32
        %dma_start3A_410 = arith.constant 1 : i32
        %dma_start3A_411 = arith.constant 1 : i32
        %dma_start3A_412 = arith.constant 0 : i32
        %dma_start3A_413 = arith.constant 0 : i32
        %dma_start3A_414 = tpu.memref_slice %arg6[%dma_start3A_410, %dma_start3A_412, %dma_start3A_413] : memref<5x128x128xf32, #tpu.memory_space<vmem>> -> memref<1x128x128xf32, #tpu.memory_space<vmem>>
        %dma_start3A_415 = tpu.memref_squeeze %dma_start3A_414 : memref<1x128x128xf32, #tpu.memory_space<vmem>> -> memref<128x128xf32, #tpu.memory_space<vmem>>
        %dma_start3A_416 = arith.constant 0 : i32
        %dma_start3A_417 = tpu.memref_slice %arg5[%add3A_409, %dma_start3A_416] : memref<50x128xi32, #tpu.memory_space<vmem>> -> memref<1x128xi32, #tpu.memory_space<vmem>>
        %dma_start3A_418 = tpu.memref_squeeze %dma_start3A_417 : memref<1x128xi32, #tpu.memory_space<vmem>> -> memref<128xi32, #tpu.memory_space<vmem>>
        %dma_start3A_419 = arith.constant 0 : i32
        %dma_start3A_420 = arith.constant 0 : i32
        %dma_start3A_421 = tpu.memref_slice %arg2[%dma_start3A_419, %dma_start3A_420] : memref<18000x128xf32, #tpu.memory_space<hbm>> -> memref<18000x128xf32, #tpu.memory_space<hbm>>
        %dma_start3A_422 = tpu.memref_slice %arg7[%dma_start3A_411] : memref<5x!tpu.dma_semaphore, #tpu.memory_space<semaphore_mem>> -> memref<1x!tpu.dma_semaphore, #tpu.memory_space<semaphore_mem>>
        %dma_start3A_423 = tpu.memref_squeeze %dma_start3A_422 : memref<1x!tpu.dma_semaphore, #tpu.memory_space<semaphore_mem>> -> memref<!tpu.dma_semaphore, #tpu.memory_space<semaphore_mem>>
        tpu.enqueue_indirect_dma source(%dma_start3A_421 : memref<18000x128xf32, #tpu.memory_space<hbm>>) target(%dma_start3A_415 : memref<128x128xf32, #tpu.memory_space<vmem>>) offsets(%dma_start3A_418 : memref<128xi32, #tpu.memory_space<vmem>>) semaphore(%dma_start3A_423 : memref<!tpu.dma_semaphore, #tpu.memory_space<semaphore_mem>>)
      } else {
      }
      %mul3A_320 = arith.constant 5 : i32
      %mul3A_321 = arith.muli %scan3A_82, %mul3A_320 : i32
      %add3A_322 = arith.constant 2 : i32
      %add3A_323 = arith.addi %mul3A_321, %add3A_322 : i32
      %mul3A_324 = arith.constant 128 : i32
      %mul3A_325 = arith.muli %add3A_323, %mul3A_324 : i32
      %add3A_326 = arith.addi %mul3A_2, %mul3A_325 : i32
      %dma_wait3A_327 = arith.constant 2 : i32
      %dma_wait3A_328 = arith.constant 2 : i32
      %dma_wait3A_329 = arith.constant 0 : i32
      %dma_wait3A_330 = arith.constant 0 : i32
      %dma_wait3A_331 = tpu.memref_slice %arg6[%dma_wait3A_327, %dma_wait3A_329, %dma_wait3A_330] : memref<5x128x128xf32, #tpu.memory_space<vmem>> -> memref<1x128x128xf32, #tpu.memory_space<vmem>>
      %dma_wait3A_332 = tpu.memref_squeeze %dma_wait3A_331 : memref<1x128x128xf32, #tpu.memory_space<vmem>> -> memref<128x128xf32, #tpu.memory_space<vmem>>
      %dma_wait3A_333 = arith.constant 0 : i32
      %dma_wait3A_334 = tpu.memref_slice %arg4[%add3A_326, %dma_wait3A_333] : memref<204800x128xf32, #tpu.memory_space<hbm>> -> memref<128x128xf32, #tpu.memory_space<hbm>>
      %dma_wait3A_335 = tpu.memref_slice %arg8[%dma_wait3A_328] : memref<5x!tpu.dma_semaphore, #tpu.memory_space<semaphore_mem>> -> memref<1x!tpu.dma_semaphore, #tpu.memory_space<semaphore_mem>>
      %dma_wait3A_336 = tpu.memref_squeeze %dma_wait3A_335 : memref<1x!tpu.dma_semaphore, #tpu.memory_space<semaphore_mem>> -> memref<!tpu.dma_semaphore, #tpu.memory_space<semaphore_mem>>
      %dma_wait3A_337 = arith.constant 0 : i32
      %dma_wait3A_338 = tpu.memref_slice %arg4[%add3A_326, %dma_wait3A_337] : memref<204800x128xf32, #tpu.memory_space<hbm>> -> memref<128x128xf32, #tpu.memory_space<hbm>>
      %dma_wait3A_339 = arith.constant 0 : i32
      %dma_wait3A_340 = arith.constant 0 : i32
      %dma_wait3A_341 = tpu.memref_slice %arg6[%dma_wait3A_327, %dma_wait3A_339, %dma_wait3A_340] : memref<5x128x128xf32, #tpu.memory_space<vmem>> -> memref<1x128x128xf32, #tpu.memory_space<vmem>>
      %dma_wait3A_342 = tpu.memref_squeeze %dma_wait3A_341 : memref<1x128x128xf32, #tpu.memory_space<vmem>> -> memref<128x128xf32, #tpu.memory_space<vmem>>
      tpu.wait_dma2 semaphore(%dma_wait3A_336 : memref<!tpu.dma_semaphore, #tpu.memory_space<semaphore_mem>>) src(%dma_wait3A_342 : memref<128x128xf32, #tpu.memory_space<vmem>>) dst(%dma_wait3A_338 : memref<128x128xf32, #tpu.memory_space<hbm>>)
      %lt3A_343 = arith.constant 9 : i32
      %lt3A_344 = arith.cmpi slt, %scan3A_82, %lt3A_343 : i32
      %convert_element_type3A_345 = arith.extui %lt3A_344 : i1 to i32
      %cond3A_346 = arith.constant 0 : i32
      %cond3A_347 = arith.cmpi ne, %convert_element_type3A_345, %cond3A_346 : i32
      scf.if %cond3A_347 {
        %add3A_404 = arith.constant 1 : i32
        %add3A_405 = arith.addi %scan3A_82, %add3A_404 : i32
        %mul3A_406 = arith.constant 5 : i32
        %mul3A_407 = arith.muli %add3A_405, %mul3A_406 : i32
        %add3A_408 = arith.constant 2 : i32
        %add3A_409 = arith.addi %mul3A_407, %add3A_408 : i32
        %dma_start3A_410 = arith.constant 2 : i32
        %dma_start3A_411 = arith.constant 2 : i32
        %dma_start3A_412 = arith.constant 0 : i32
        %dma_start3A_413 = arith.constant 0 : i32
        %dma_start3A_414 = tpu.memref_slice %arg6[%dma_start3A_410, %dma_start3A_412, %dma_start3A_413] : memref<5x128x128xf32, #tpu.memory_space<vmem>> -> memref<1x128x128xf32, #tpu.memory_space<vmem>>
        %dma_start3A_415 = tpu.memref_squeeze %dma_start3A_414 : memref<1x128x128xf32, #tpu.memory_space<vmem>> -> memref<128x128xf32, #tpu.memory_space<vmem>>
        %dma_start3A_416 = arith.constant 0 : i32
        %dma_start3A_417 = tpu.memref_slice %arg5[%add3A_409, %dma_start3A_416] : memref<50x128xi32, #tpu.memory_space<vmem>> -> memref<1x128xi32, #tpu.memory_space<vmem>>
        %dma_start3A_418 = tpu.memref_squeeze %dma_start3A_417 : memref<1x128xi32, #tpu.memory_space<vmem>> -> memref<128xi32, #tpu.memory_space<vmem>>
        %dma_start3A_419 = arith.constant 0 : i32
        %dma_start3A_420 = arith.constant 0 : i32
        %dma_start3A_421 = tpu.memref_slice %arg2[%dma_start3A_419, %dma_start3A_420] : memref<18000x128xf32, #tpu.memory_space<hbm>> -> memref<18000x128xf32, #tpu.memory_space<hbm>>
        %dma_start3A_422 = tpu.memref_slice %arg7[%dma_start3A_411] : memref<5x!tpu.dma_semaphore, #tpu.memory_space<semaphore_mem>> -> memref<1x!tpu.dma_semaphore, #tpu.memory_space<semaphore_mem>>
        %dma_start3A_423 = tpu.memref_squeeze %dma_start3A_422 : memref<1x!tpu.dma_semaphore, #tpu.memory_space<semaphore_mem>> -> memref<!tpu.dma_semaphore, #tpu.memory_space<semaphore_mem>>
        tpu.enqueue_indirect_dma source(%dma_start3A_421 : memref<18000x128xf32, #tpu.memory_space<hbm>>) target(%dma_start3A_415 : memref<128x128xf32, #tpu.memory_space<vmem>>) offsets(%dma_start3A_418 : memref<128xi32, #tpu.memory_space<vmem>>) semaphore(%dma_start3A_423 : memref<!tpu.dma_semaphore, #tpu.memory_space<semaphore_mem>>)
      } else {
      }
      %mul3A_348 = arith.constant 5 : i32
      %mul3A_349 = arith.muli %scan3A_82, %mul3A_348 : i32
      %add3A_350 = arith.constant 3 : i32
      %add3A_351 = arith.addi %mul3A_349, %add3A_350 : i32
      %mul3A_352 = arith.constant 128 : i32
      %mul3A_353 = arith.muli %add3A_351, %mul3A_352 : i32
      %add3A_354 = arith.addi %mul3A_2, %mul3A_353 : i32
      %dma_wait3A_355 = arith.constant 3 : i32
      %dma_wait3A_356 = arith.constant 3 : i32
      %dma_wait3A_357 = arith.constant 0 : i32
      %dma_wait3A_358 = arith.constant 0 : i32
      %dma_wait3A_359 = tpu.memref_slice %arg6[%dma_wait3A_355, %dma_wait3A_357, %dma_wait3A_358] : memref<5x128x128xf32, #tpu.memory_space<vmem>> -> memref<1x128x128xf32, #tpu.memory_space<vmem>>
      %dma_wait3A_360 = tpu.memref_squeeze %dma_wait3A_359 : memref<1x128x128xf32, #tpu.memory_space<vmem>> -> memref<128x128xf32, #tpu.memory_space<vmem>>
      %dma_wait3A_361 = arith.constant 0 : i32
      %dma_wait3A_362 = tpu.memref_slice %arg4[%add3A_354, %dma_wait3A_361] : memref<204800x128xf32, #tpu.memory_space<hbm>> -> memref<128x128xf32, #tpu.memory_space<hbm>>
      %dma_wait3A_363 = tpu.memref_slice %arg8[%dma_wait3A_356] : memref<5x!tpu.dma_semaphore, #tpu.memory_space<semaphore_mem>> -> memref<1x!tpu.dma_semaphore, #tpu.memory_space<semaphore_mem>>
      %dma_wait3A_364 = tpu.memref_squeeze %dma_wait3A_363 : memref<1x!tpu.dma_semaphore, #tpu.memory_space<semaphore_mem>> -> memref<!tpu.dma_semaphore, #tpu.memory_space<semaphore_mem>>
      %dma_wait3A_365 = arith.constant 0 : i32
      %dma_wait3A_366 = tpu.memref_slice %arg4[%add3A_354, %dma_wait3A_365] : memref<204800x128xf32, #tpu.memory_space<hbm>> -> memref<128x128xf32, #tpu.memory_space<hbm>>
      %dma_wait3A_367 = arith.constant 0 : i32
      %dma_wait3A_368 = arith.constant 0 : i32
      %dma_wait3A_369 = tpu.memref_slice %arg6[%dma_wait3A_355, %dma_wait3A_367, %dma_wait3A_368] : memref<5x128x128xf32, #tpu.memory_space<vmem>> -> memref<1x128x128xf32, #tpu.memory_space<vmem>>
      %dma_wait3A_370 = tpu.memref_squeeze %dma_wait3A_369 : memref<1x128x128xf32, #tpu.memory_space<vmem>> -> memref<128x128xf32, #tpu.memory_space<vmem>>
      tpu.wait_dma2 semaphore(%dma_wait3A_364 : memref<!tpu.dma_semaphore, #tpu.memory_space<semaphore_mem>>) src(%dma_wait3A_370 : memref<128x128xf32, #tpu.memory_space<vmem>>) dst(%dma_wait3A_366 : memref<128x128xf32, #tpu.memory_space<hbm>>)
      %lt3A_371 = arith.constant 9 : i32
      %lt3A_372 = arith.cmpi slt, %scan3A_82, %lt3A_371 : i32
      %convert_element_type3A_373 = arith.extui %lt3A_372 : i1 to i32
      %cond3A_374 = arith.constant 0 : i32
      %cond3A_375 = arith.cmpi ne, %convert_element_type3A_373, %cond3A_374 : i32
      scf.if %cond3A_375 {
        %add3A_404 = arith.constant 1 : i32
        %add3A_405 = arith.addi %scan3A_82, %add3A_404 : i32
        %mul3A_406 = arith.constant 5 : i32
        %mul3A_407 = arith.muli %add3A_405, %mul3A_406 : i32
        %add3A_408 = arith.constant 3 : i32
        %add3A_409 = arith.addi %mul3A_407, %add3A_408 : i32
        %dma_start3A_410 = arith.constant 3 : i32
        %dma_start3A_411 = arith.constant 3 : i32
        %dma_start3A_412 = arith.constant 0 : i32
        %dma_start3A_413 = arith.constant 0 : i32
        %dma_start3A_414 = tpu.memref_slice %arg6[%dma_start3A_410, %dma_start3A_412, %dma_start3A_413] : memref<5x128x128xf32, #tpu.memory_space<vmem>> -> memref<1x128x128xf32, #tpu.memory_space<vmem>>
        %dma_start3A_415 = tpu.memref_squeeze %dma_start3A_414 : memref<1x128x128xf32, #tpu.memory_space<vmem>> -> memref<128x128xf32, #tpu.memory_space<vmem>>
        %dma_start3A_416 = arith.constant 0 : i32
        %dma_start3A_417 = tpu.memref_slice %arg5[%add3A_409, %dma_start3A_416] : memref<50x128xi32, #tpu.memory_space<vmem>> -> memref<1x128xi32, #tpu.memory_space<vmem>>
        %dma_start3A_418 = tpu.memref_squeeze %dma_start3A_417 : memref<1x128xi32, #tpu.memory_space<vmem>> -> memref<128xi32, #tpu.memory_space<vmem>>
        %dma_start3A_419 = arith.constant 0 : i32
        %dma_start3A_420 = arith.constant 0 : i32
        %dma_start3A_421 = tpu.memref_slice %arg2[%dma_start3A_419, %dma_start3A_420] : memref<18000x128xf32, #tpu.memory_space<hbm>> -> memref<18000x128xf32, #tpu.memory_space<hbm>>
        %dma_start3A_422 = tpu.memref_slice %arg7[%dma_start3A_411] : memref<5x!tpu.dma_semaphore, #tpu.memory_space<semaphore_mem>> -> memref<1x!tpu.dma_semaphore, #tpu.memory_space<semaphore_mem>>
        %dma_start3A_423 = tpu.memref_squeeze %dma_start3A_422 : memref<1x!tpu.dma_semaphore, #tpu.memory_space<semaphore_mem>> -> memref<!tpu.dma_semaphore, #tpu.memory_space<semaphore_mem>>
        tpu.enqueue_indirect_dma source(%dma_start3A_421 : memref<18000x128xf32, #tpu.memory_space<hbm>>) target(%dma_start3A_415 : memref<128x128xf32, #tpu.memory_space<vmem>>) offsets(%dma_start3A_418 : memref<128xi32, #tpu.memory_space<vmem>>) semaphore(%dma_start3A_423 : memref<!tpu.dma_semaphore, #tpu.memory_space<semaphore_mem>>)
      } else {
      }
      %mul3A_376 = arith.constant 5 : i32
      %mul3A_377 = arith.muli %scan3A_82, %mul3A_376 : i32
      %add3A_378 = arith.constant 4 : i32
      %add3A_379 = arith.addi %mul3A_377, %add3A_378 : i32
      %mul3A_380 = arith.constant 128 : i32
      %mul3A_381 = arith.muli %add3A_379, %mul3A_380 : i32
      %add3A_382 = arith.addi %mul3A_2, %mul3A_381 : i32
      %dma_wait3A_383 = arith.constant 4 : i32
      %dma_wait3A_384 = arith.constant 4 : i32
      %dma_wait3A_385 = arith.constant 0 : i32
      %dma_wait3A_386 = arith.constant 0 : i32
      %dma_wait3A_387 = tpu.memref_slice %arg6[%dma_wait3A_383, %dma_wait3A_385, %dma_wait3A_386] : memref<5x128x128xf32, #tpu.memory_space<vmem>> -> memref<1x128x128xf32, #tpu.memory_space<vmem>>
      %dma_wait3A_388 = tpu.memref_squeeze %dma_wait3A_387 : memref<1x128x128xf32, #tpu.memory_space<vmem>> -> memref<128x128xf32, #tpu.memory_space<vmem>>
      %dma_wait3A_389 = arith.constant 0 : i32
      %dma_wait3A_390 = tpu.memref_slice %arg4[%add3A_382, %dma_wait3A_389] : memref<204800x128xf32, #tpu.memory_space<hbm>> -> memref<128x128xf32, #tpu.memory_space<hbm>>
      %dma_wait3A_391 = tpu.memref_slice %arg8[%dma_wait3A_384] : memref<5x!tpu.dma_semaphore, #tpu.memory_space<semaphore_mem>> -> memref<1x!tpu.dma_semaphore, #tpu.memory_space<semaphore_mem>>
      %dma_wait3A_392 = tpu.memref_squeeze %dma_wait3A_391 : memref<1x!tpu.dma_semaphore, #tpu.memory_space<semaphore_mem>> -> memref<!tpu.dma_semaphore, #tpu.memory_space<semaphore_mem>>
      %dma_wait3A_393 = arith.constant 0 : i32
      %dma_wait3A_394 = tpu.memref_slice %arg4[%add3A_382, %dma_wait3A_393] : memref<204800x128xf32, #tpu.memory_space<hbm>> -> memref<128x128xf32, #tpu.memory_space<hbm>>
      %dma_wait3A_395 = arith.constant 0 : i32
      %dma_wait3A_396 = arith.constant 0 : i32
      %dma_wait3A_397 = tpu.memref_slice %arg6[%dma_wait3A_383, %dma_wait3A_395, %dma_wait3A_396] : memref<5x128x128xf32, #tpu.memory_space<vmem>> -> memref<1x128x128xf32, #tpu.memory_space<vmem>>
      %dma_wait3A_398 = tpu.memref_squeeze %dma_wait3A_397 : memref<1x128x128xf32, #tpu.memory_space<vmem>> -> memref<128x128xf32, #tpu.memory_space<vmem>>
      tpu.wait_dma2 semaphore(%dma_wait3A_392 : memref<!tpu.dma_semaphore, #tpu.memory_space<semaphore_mem>>) src(%dma_wait3A_398 : memref<128x128xf32, #tpu.memory_space<vmem>>) dst(%dma_wait3A_394 : memref<128x128xf32, #tpu.memory_space<hbm>>)
      %lt3A_399 = arith.constant 9 : i32
      %lt3A_400 = arith.cmpi slt, %scan3A_82, %lt3A_399 : i32
      %convert_element_type3A_401 = arith.extui %lt3A_400 : i1 to i32
      %cond3A_402 = arith.constant 0 : i32
      %cond3A_403 = arith.cmpi ne, %convert_element_type3A_401, %cond3A_402 : i32
      scf.if %cond3A_403 {
        %add3A_404 = arith.constant 1 : i32
        %add3A_405 = arith.addi %scan3A_82, %add3A_404 : i32
        %mul3A_406 = arith.constant 5 : i32
        %mul3A_407 = arith.muli %add3A_405, %mul3A_406 : i32
        %add3A_408 = arith.constant 4 : i32
        %add3A_409 = arith.addi %mul3A_407, %add3A_408 : i32
        %dma_start3A_410 = arith.constant 4 : i32
        %dma_start3A_411 = arith.constant 4 : i32
        %dma_start3A_412 = arith.constant 0 : i32
        %dma_start3A_413 = arith.constant 0 : i32
        %dma_start3A_414 = tpu.memref_slice %arg6[%dma_start3A_410, %dma_start3A_412, %dma_start3A_413] : memref<5x128x128xf32, #tpu.memory_space<vmem>> -> memref<1x128x128xf32, #tpu.memory_space<vmem>>
        %dma_start3A_415 = tpu.memref_squeeze %dma_start3A_414 : memref<1x128x128xf32, #tpu.memory_space<vmem>> -> memref<128x128xf32, #tpu.memory_space<vmem>>
        %dma_start3A_416 = arith.constant 0 : i32
        %dma_start3A_417 = tpu.memref_slice %arg5[%add3A_409, %dma_start3A_416] : memref<50x128xi32, #tpu.memory_space<vmem>> -> memref<1x128xi32, #tpu.memory_space<vmem>>
        %dma_start3A_418 = tpu.memref_squeeze %dma_start3A_417 : memref<1x128xi32, #tpu.memory_space<vmem>> -> memref<128xi32, #tpu.memory_space<vmem>>
        %dma_start3A_419 = arith.constant 0 : i32
        %dma_start3A_420 = arith.constant 0 : i32
        %dma_start3A_421 = tpu.memref_slice %arg2[%dma_start3A_419, %dma_start3A_420] : memref<18000x128xf32, #tpu.memory_space<hbm>> -> memref<18000x128xf32, #tpu.memory_space<hbm>>
        %dma_start3A_422 = tpu.memref_slice %arg7[%dma_start3A_411] : memref<5x!tpu.dma_semaphore, #tpu.memory_space<semaphore_mem>> -> memref<1x!tpu.dma_semaphore, #tpu.memory_space<semaphore_mem>>
        %dma_start3A_423 = tpu.memref_squeeze %dma_start3A_422 : memref<1x!tpu.dma_semaphore, #tpu.memory_space<semaphore_mem>> -> memref<!tpu.dma_semaphore, #tpu.memory_space<semaphore_mem>>
        tpu.enqueue_indirect_dma source(%dma_start3A_421 : memref<18000x128xf32, #tpu.memory_space<hbm>>) target(%dma_start3A_415 : memref<128x128xf32, #tpu.memory_space<vmem>>) offsets(%dma_start3A_418 : memref<128xi32, #tpu.memory_space<vmem>>) semaphore(%dma_start3A_423 : memref<!tpu.dma_semaphore, #tpu.memory_space<semaphore_mem>>)
      } else {
      }
    }
    %scan3A_81 = arith.constant 10 : i32
    return
  }
}

module attributes {stable_mosaic.version = 14 : i64} {
  func.func @_prep_body(%arg0: memref<4096x50xi32, #tpu.memory_space<vmem>>, %arg1: memref<4096x50xi32, #tpu.memory_space<vmem>>, %arg2: memref<24x128xf32, #tpu.memory_space<vmem>>, %arg3: memref<15x128xf32, #tpu.memory_space<vmem>>, %arg4: memref<50x128xf32, #tpu.memory_space<vmem>>, %arg5: memref<50x360x128xf32, #tpu.memory_space<vmem>>, %arg6: memref<50x4096xi32, #tpu.memory_space<vmem>>) attributes {dimension_semantics = [], scalar_prefetch = 0 : i64, scratch_operands = 0 : i64, tpu.core_type = #tpu.core_type<tc>} {
    %iota3A = tpu.iota {dimensions = array<i32: 0>} : vector<360x24xi32>
    %iota3A_0 = tpu.iota {dimensions = array<i32: 1>} : vector<360x24xi32>
    %jit3A = arith.constant 15 : i32
    %div3A = vector.broadcast %jit3A : i32 to vector<360x24xi32>
    %div3A_1 = arith.divsi %iota3A, %div3A : vector<360x24xi32>
    %sign3A = arith.constant 0 : i32
    %sign3A_2 = vector.broadcast %sign3A : i32 to vector<360x24xi32>
    %sign3A_3 = arith.cmpi sgt, %iota3A, %sign3A_2 : vector<360x24xi32>
    %sign3A_4 = arith.extui %sign3A_3 : vector<360x24xi1> to vector<360x24xi32>
    %sign3A_5 = arith.constant 0 : i32
    %sign3A_6 = vector.broadcast %sign3A_5 : i32 to vector<360x24xi32>
    %sign3A_7 = arith.cmpi slt, %iota3A, %sign3A_6 : vector<360x24xi32>
    %sign3A_8 = arith.extui %sign3A_7 : vector<360x24xi1> to vector<360x24xi32>
    %sign3A_9 = arith.subi %sign3A_4, %sign3A_8 : vector<360x24xi32>
    %sign3A_10 = arith.constant 0 : i32
    %sign3A_11 = arith.cmpi sgt, %jit3A, %sign3A_10 : i32
    %sign3A_12 = arith.extui %sign3A_11 : i1 to i32
    %sign3A_13 = arith.constant 0 : i32
    %sign3A_14 = arith.cmpi slt, %jit3A, %sign3A_13 : i32
    %sign3A_15 = arith.extui %sign3A_14 : i1 to i32
    %sign3A_16 = arith.subi %sign3A_12, %sign3A_15 : i32
    %ne3A = vector.broadcast %sign3A_16 : i32 to vector<360x24xi32>
    %ne3A_17 = arith.cmpi ne, %sign3A_9, %ne3A : vector<360x24xi32>
    %rem3A = vector.broadcast %jit3A : i32 to vector<360x24xi32>
    %rem3A_18 = arith.remsi %iota3A, %rem3A : vector<360x24xi32>
    %ne3A_19 = arith.constant 0 : i32
    %ne3A_20 = vector.broadcast %ne3A_19 : i32 to vector<360x24xi32>
    %ne3A_21 = arith.cmpi ne, %rem3A_18, %ne3A_20 : vector<360x24xi32>
    %and3A = arith.andi %ne3A_17, %ne3A_21 : vector<360x24xi1>
    %sub3A = arith.constant 1 : i32
    %sub3A_22 = vector.broadcast %sub3A : i32 to vector<360x24xi32>
    %sub3A_23 = arith.subi %div3A_1, %sub3A_22 : vector<360x24xi32>
    %select_n3A = arith.select %and3A, %sub3A_23, %div3A_1 : vector<360x24xi1>, vector<360x24xi32>
    %eq3A = arith.cmpi eq, %select_n3A, %iota3A_0 : vector<360x24xi32>
    %convert_element_type3A = arith.extui %eq3A : vector<360x24xi1> to vector<360x24xi32>
    %convert_element_type3A_24 = arith.sitofp %convert_element_type3A : vector<360x24xi32> to vector<360x24xf32>
    %iota3A_25 = tpu.iota {dimensions = array<i32: 0>} : vector<360x15xi32>
    %iota3A_26 = tpu.iota {dimensions = array<i32: 1>} : vector<360x15xi32>
    %jit3A_27 = arith.constant 15 : i32
    %eq3A_28 = arith.constant 0 : i32
    %eq3A_29 = arith.cmpi eq, %jit3A_27, %eq3A_28 : i32
    %jit3A_30 = arith.constant 1 : i32
    %select_n3A_31 = arith.select %eq3A_29, %jit3A_30, %jit3A_27 : i32
    %rem3A_32 = vector.broadcast %select_n3A_31 : i32 to vector<360x15xi32>
    %rem3A_33 = arith.remsi %iota3A_25, %rem3A_32 : vector<360x15xi32>
    %ne3A_34 = arith.constant 0 : i32
    %ne3A_35 = vector.broadcast %ne3A_34 : i32 to vector<360x15xi32>
    %ne3A_36 = arith.cmpi ne, %rem3A_33, %ne3A_35 : vector<360x15xi32>
    %lt3A = arith.constant 0 : i32
    %lt3A_37 = vector.broadcast %lt3A : i32 to vector<360x15xi32>
    %lt3A_38 = arith.cmpi slt, %rem3A_33, %lt3A_37 : vector<360x15xi32>
    %lt3A_39 = arith.constant 0 : i32
    %lt3A_40 = arith.cmpi slt, %select_n3A_31, %lt3A_39 : i32
    %ne3A_41 = vector.broadcast %lt3A_40 : i1 to vector<360x15xi1>
    %ne3A_42 = vector.broadcast %ne3A_41 : vector<360x15xi1> to vector<360x15xi1>
    %ne3A_43 = arith.xori %lt3A_38, %ne3A_42 : vector<360x15xi1>
    %and3A_44 = arith.andi %ne3A_43, %ne3A_36 : vector<360x15xi1>
    %add3A = vector.broadcast %select_n3A_31 : i32 to vector<360x15xi32>
    %add3A_45 = arith.addi %rem3A_33, %add3A : vector<360x15xi32>
    %select_n3A_46 = arith.select %and3A_44, %add3A_45, %rem3A_33 : vector<360x15xi1>, vector<360x15xi32>
    %eq3A_47 = arith.cmpi eq, %select_n3A_46, %iota3A_26 : vector<360x15xi32>
    %convert_element_type3A_48 = arith.extui %eq3A_47 : vector<360x15xi1> to vector<360x15xi32>
    %convert_element_type3A_49 = arith.sitofp %convert_element_type3A_48 : vector<360x15xi32> to vector<360x15xf32>
    %get3A = arith.constant 0 : index
    %get3A_50 = arith.constant 0 : index
    %get3A_51 = vector.load %arg2[%get3A, %get3A_50] : memref<24x128xf32, #tpu.memory_space<vmem>>, vector<24x128xf32>
    %dot_general3A = arith.constant dense<0.000000e+00> : vector<360x128xf32>
    %dot_general3A_52 = tpu.matmul %convert_element_type3A_24, %get3A_51, %dot_general3A {dimension_numbers = #tpu.dot_dimension_numbers<[1], [0], [0], [1], [0, 0, 1, 1], [], []>, precision = #tpu.contract_precision<fp32>, transpose_lhs_hint = false} : vector<360x24xf32>, vector<24x128xf32>, vector<360x128xf32> -> vector<360x128xf32>
    %get3A_53 = arith.constant 0 : index
    %get3A_54 = arith.constant 0 : index
    %get3A_55 = vector.load %arg3[%get3A_53, %get3A_54] : memref<15x128xf32, #tpu.memory_space<vmem>>, vector<15x128xf32>
    %dot_general3A_56 = arith.constant dense<0.000000e+00> : vector<360x128xf32>
    %dot_general3A_57 = tpu.matmul %convert_element_type3A_49, %get3A_55, %dot_general3A_56 {dimension_numbers = #tpu.dot_dimension_numbers<[1], [0], [0], [1], [0, 0, 1, 1], [], []>, precision = #tpu.contract_precision<fp32>, transpose_lhs_hint = false} : vector<360x15xf32>, vector<15x128xf32>, vector<360x128xf32> -> vector<360x128xf32>
    %add3A_58 = arith.addf %dot_general3A_52, %dot_general3A_57 : vector<360x128xf32>
    %broadcast_in_dim3A = vector.shape_cast %add3A_58 : vector<360x128xf32> to vector<1x360x128xf32>
    %mul3A = arith.constant 4.89897966 : f32
    %mul3A_59 = vector.broadcast %mul3A : f32 to vector<1x360x128xf32>
    %mul3A_60 = arith.mulf %broadcast_in_dim3A, %mul3A_59 : vector<1x360x128xf32>
    %get3A_61 = arith.constant 0 : index
    %get3A_62 = arith.constant 0 : index
    %get3A_63 = vector.load %arg4[%get3A_61, %get3A_62] : memref<50x128xf32, #tpu.memory_space<vmem>>, vector<50x128xf32>
    %broadcast_in_dim3A_64 = vector.shape_cast %get3A_63 : vector<50x128xf32> to vector<50x1x128xf32>
    %add3A_65 = vector.broadcast %mul3A_60 : vector<1x360x128xf32> to vector<50x360x128xf32>
    %add3A_66 = vector.broadcast %broadcast_in_dim3A_64 : vector<50x1x128xf32> to vector<50x360x128xf32>
    %add3A_67 = arith.addf %add3A_65, %add3A_66 : vector<50x360x128xf32>
    %swap3A = arith.constant 0 : index
    %swap3A_68 = arith.constant 0 : index
    %swap3A_69 = arith.constant 0 : index
    %swap3A_70 = vector.load %arg5[%swap3A, %swap3A_68, %swap3A_69] : memref<50x360x128xf32, #tpu.memory_space<vmem>>, vector<50x360x128xf32>
    tpu.vector_store %arg5[%swap3A, %swap3A_68, %swap3A_69], %add3A_67 {strides = array<i32>} : memref<50x360x128xf32, #tpu.memory_space<vmem>>, vector<50x360x128xf32>,
    %get3A_71 = arith.constant 0 : index
    %get3A_72 = arith.constant 0 : index
    %get3A_73 = vector.load %arg0[%get3A_71, %get3A_72] : memref<4096x50xi32, #tpu.memory_space<vmem>>, vector<4096x50xi32>
    %mul3A_74 = arith.constant 15 : i32
    %mul3A_75 = vector.broadcast %mul3A_74 : i32 to vector<4096x50xi32>
    %mul3A_76 = arith.muli %get3A_73, %mul3A_75 : vector<4096x50xi32>
    %get3A_77 = arith.constant 0 : index
    %get3A_78 = arith.constant 0 : index
    %get3A_79 = vector.load %arg1[%get3A_77, %get3A_78] : memref<4096x50xi32, #tpu.memory_space<vmem>>, vector<4096x50xi32>
    %add3A_80 = arith.addi %mul3A_76, %get3A_79 : vector<4096x50xi32>
    %transpose3A = tpu.transpose %add3A_80, [1, 0] : vector<4096x50xi32> -> vector<50x4096xi32>
    %iota3A_81 = tpu.iota {dimensions = array<i32: 0>} : vector<50x4096xi32>
    %mul3A_82 = arith.constant 360 : i32
    %mul3A_83 = vector.broadcast %mul3A_82 : i32 to vector<50x4096xi32>
    %mul3A_84 = arith.muli %mul3A_83, %iota3A_81 : vector<50x4096xi32>
    %add3A_85 = arith.addi %transpose3A, %mul3A_84 : vector<50x4096xi32>
    %swap3A_86 = arith.constant 0 : index
    %swap3A_87 = arith.constant 0 : index
    %swap3A_88 = vector.load %arg6[%swap3A_86, %swap3A_87] : memref<50x4096xi32, #tpu.memory_space<vmem>>, vector<50x4096xi32>
    tpu.vector_store %arg6[%swap3A_86, %swap3A_87], %add3A_85 {strides = array<i32>} : memref<50x4096xi32, #tpu.memory_space<vmem>>, vector<50x4096xi32>,
    return
  }
}

</mosaic_0001>

<sc_bundles>
// kernel: kernel.4.cloned.1.call-start
scs
__scs_entry_jumppad:
0x0: {  	(pc) =	sbr.rel $0x88, $3  }
0x1: {  	(tag) =	ssettag $0x0;
	lr =	simm.s32 $0x1  }
0x2: {  	[smem:$0x3F9C] =	sst lr;
	_ =	strace $0xD0000000  }
0x3: {  	_ = 	snop  }
0x4: {  	_ = 	snop  }
0x5: {  	_ = 	snop  }
0x6: {  	_ = 	snop  }
0x7: {  	_ = 	snop  }
__scs_overlays_trampoline_lowered:
0x8: {  	[smem:$0x3FAB] =	sst s0  }
0x9: {  	[smem:$0x3FAC] =	sst s1  }
0xa: {  	[smem:$0x3FAD] =	sst s2  }
0xb: {  	[smem:$0x3FAE] =	sst s3  }
0xc: {  	[smem:$0x3FAF] =	sst s4  }
0xd: {  	[smem:$0x3FB0] =	sst s5  }
0xe: {  	[smem:$0x3FB1] =	sst s6  }
0xf: {  	[smem:$0x3FB2] =	sst s7  }
0x10: {  	[smem:$0x3FB3] =	sst s8  }
0x11: {  	[smem:$0x3FB4] =	sst s9;
	s0 =	simm.s32 @!p0 $0x0  }
0x12: {  	s1 =	sld [smem:$0x3F9A];
	s0 =	simm.s32 @p0 $0x1  }
0x13: {  	[smem:$0x3FB5] =	sst s0;
	s0 =	simm.s32 @!p1 $0x0  }
0x14: {  	s2 =	sld [smem:$0x3F99];
	s0 =	simm.s32 @p1 $0x1  }
0x15: {  	[smem:$0x3FB6] =	sst s0;
	s0 =	simm.s32 @!p2 $0x0  }
0x16: {  	s3 =	sld [smem:$0x3FDB];
	s0 =	simm.s32 @p2 $0x1  }
0x17: {  	s4 =	simm.s32 $0x1BF5;
	[smem:$0x3FB8] =	sst s0  }
0x18: {  	s0 =	sld [smem:$0x3F9B];
	_ =	swait.ge [sflag:s4], $0x0  }
0x19: {  	s7 =	sld [smem:$0x3F9C]  }
0x1a: {  	s8 =	sadd.s32 $0xFFFFE003, lr  }
0x1b: {  	s9 =	sadd.s32 $0xFFFFFEF7, lr;
	s5 =	simm.s32 $0xFFFFFFFF;
	p2 =	slt.u32 s8, $0xFFFFF086  }
0x1c: {  	p1 =	slt.u32 s9, $0xF7A;
	s5 =	simm.s32 @!p2 $0x0  }
0x1d: {  	s5 =	simm.s32 @p1 $0x1;
	p0 =	seq.s32 s7, s2  }
0x1e: {  	s7 =	smul.u32 @!p0 $0xF7A, s2;
	p2 =	seq.s32 @!p0 s5, $0x0  }
0x1f: {  	s9 =	smul.u32 $0xF7A, s1;
	s8 =	simm.s32 @!p0 $0x1BF5;
	p2 =	por !p2, p0  }
0x20: {  	[sflag:s8] =	ssyncset.s32 @!p0 $0xFFFFF086;
	s6 =	sadd.s32 @!p0 s3, s7;
	s7 =	simm.s32 @!p0 $0x108  }
0x21: {  	s3 =	sadd.s32 s3, s9;
	s6 =	sadd.s32 @!p0 $0x88, s6;
	s7 =	simm.s32 @p2 $0x1082  }
0x22: {  	[simem:s7], [sflag:s8] =	dma.local @!p0 [hbm:s6], $0xF7A  }
0x23: {  	s9 =	sor.u32 $0xD0000000, s2;
	s6 =	simm.s32 $0x108;
	_ =	swait.ge @!p0 [sflag:s8], $0x0  }
0x24: {  	s3 =	sadd.s32 $0x88, s3;
	s6 =	simm.s32 @!p1 $0x1082;
	[sflag:s4] =	ssyncset.s32 $0xFFFFF086  }
0x25: {  	[simem:s6], [sflag:s4] =	dma.local [hbm:s3], $0xF7A  }
0x26: {  	[smem:$0x3F9C] =	sst s1;
	(tag) =	ssettag s2;
	_ =	strace s9  }
0x27: {  	s1 =	sld [smem:$0x3FAC]  }
0x28: {  	s2 =	sld [smem:$0x3FAD]  }
0x29: {  	s4 =	sld [smem:$0x3FAF]  }
0x2a: {  	p0 =	seq.s32 s5, $0x0;
	s5 =	sld [smem:$0x3FB0]  }
0x2b: {  	s6 =	sld [smem:$0x3FB1]  }
0x2c: {  	s7 =	sld [smem:$0x3FB2]  }
0x2d: {  	s3 =	simm.s32 $0x108;
	s8 =	sld [smem:$0x3FB3]  }
0x2e: {  	s3 =	simm.s32 @!p0 $0x1082;
	s9 =	sld [smem:$0x3FB4]  }
0x2f: {  	lr =	sadd.s32 s0, s3;
	s0 =	sld [smem:$0x3FAB]  }
0x30: {  	s3 =	sld [smem:$0x3FAE]  }
0x31: {  	[smem:$0x3FB7] =	sst s10  }
0x32: {  	s10 =	sld [smem:$0x3FB5];
	_ =	sdelay $0x3  }
0x33: {  	p0 =	seq.s32 s10, $0x1;
	s10 =	sld [smem:$0x3FB7];
	_ =	sdelay $0x3  }
0x34: {  	[smem:$0x3FB7] =	sst s10  }
0x35: {  	s10 =	sld [smem:$0x3FB6];
	_ =	sdelay $0x3  }
0x36: {  	p1 =	seq.s32 s10, $0x1;
	s10 =	sld [smem:$0x3FB7];
	_ =	sdelay $0x3  }
0x37: {  	[smem:$0x3FB7] =	sst s10  }
0x38: {  	s10 =	sld [smem:$0x3FB8]  }
0x39: {  	_ = 	snop;
	(pc) =	sbr.ind lr, $3  }
0x3a: {  	_ = 	snop  }
0x3b: {  	_ = 	snop  }
0x3c: {  	p2 =	seq.s32 s10, $0x1;
	s10 =	sld [smem:$0x3FB7]  }
0x3d: {  	_ =	shalt  }
0x3e: {  	_ =	shalt  }
0x3f: {  	_ =	shalt  }
0x40: {  	_ =	shalt  }
0x41: {  	_ =	shalt  }
0x42: {  	_ =	shalt  }
0x43: {  	_ =	shalt  }
0x44: {  	_ =	shalt  }
0x45: {  	_ =	shalt  }
0x46: {  	_ =	shalt  }
0x47: {  	_ =	shalt  }
0x48: {  	_ =	shalt  }
0x49: {  	_ =	shalt  }
0x4a: {  	_ =	shalt  }
0x4b: {  	_ =	shalt  }
0x4c: {  	_ =	shalt  }
0x4d: {  	_ =	shalt  }
0x4e: {  	_ =	shalt  }
0x4f: {  	_ =	shalt  }
0x50: {  	_ =	shalt  }
0x51: {  	_ =	shalt  }
0x52: {  	_ =	shalt  }
0x53: {  	_ =	shalt  }
0x54: {  	_ =	shalt  }
0x55: {  	_ =	shalt  }
0x56: {  	_ =	shalt  }
0x57: {  	_ =	shalt  }
0x58: {  	_ =	shalt  }
0x59: {  	_ =	shalt  }
0x5a: {  	_ =	shalt  }
0x5b: {  	_ =	shalt  }
0x5c: {  	_ =	shalt  }
0x5d: {  	_ =	shalt  }
0x5e: {  	_ =	shalt  }
0x5f: {  	_ =	shalt  }
0x60: {  	_ =	shalt  }
0x61: {  	_ =	shalt  }
0x62: {  	_ =	shalt  }
0x63: {  	_ =	shalt  }
0x64: {  	_ =	shalt  }
0x65: {  	_ =	shalt  }
0x66: {  	_ =	shalt  }
0x67: {  	_ =	shalt  }
0x68: {  	_ =	shalt  }
0x69: {  	_ =	shalt  }
0x6a: {  	_ =	shalt  }
0x6b: {  	_ =	shalt  }
0x6c: {  	_ =	shalt  }
0x6d: {  	_ =	shalt  }
0x6e: {  	_ =	shalt  }
0x6f: {  	_ =	shalt  }
0x70: {  	_ =	shalt  }
0x71: {  	_ =	shalt  }
0x72: {  	_ =	shalt  }
0x73: {  	_ =	shalt  }
0x74: {  	_ =	shalt  }
0x75: {  	_ =	shalt  }
0x76: {  	_ =	shalt  }
0x77: {  	_ =	shalt  }
0x78: {  	_ =	shalt  }
0x79: {  	_ =	shalt  }
0x7a: {  	_ =	shalt  }
0x7b: {  	_ =	shalt  }
0x7c: {  	_ =	shalt  }
0x7d: {  	_ =	shalt  }
0x7e: {  	_ =	shalt  }
0x7f: {  	_ =	shalt  }
0x80: {  	_ =	shalt  }
0x81: {  	_ =	shalt  }
0x82: {  	_ =	shalt  }
0x83: {  	_ =	shalt  }
0x84: {  	_ =	shalt  }
0x85: {  	_ =	shalt  }
0x86: {  	_ =	shalt  }
0x87: {  	_ =	shalt  }
.Lfunc_end0:
.L_simem_size_0:
called_computation_lowered:
.L_overlay_start_0:
0x88: {  	s2 =	sld [smem:$0x3FD9]  }
0x89: {  	s3 =	sld [smem:$0x3FFE];
	_ =	sdelay $0x1  }
0x8a: {  	s1 =	srdreg.scid  }
0x8b: {  	s0 =	sand.u32 $0x1, s1  }
0x8c: {  	s17 =	sshll.u32 s0, $0xA;
	s2 =	sadd.s32 s3, s2  }
0x8d: {  	s2 =	sadd.s32 s2, s17  }
0x8e: {  	[smem:$0x3FC3] =	sst s2  }
0x8f: {  	_ = 	snop  }
0x90: {  	s2 =	sld [smem:$0x3FD0];
	(tm) =	ssettm $0x1  }
0x91: {  	s18 =	sld [smem:$0x3FFB];
	_ =	sdelay $0x3  }
0x92: {  	_ =	strace s18  }
0x93: {  	s3 =	sld [smem:$0x3FFC];
	_ =	sdelay $0x3  }
0x94: {  	_ =	strace s3  }
0x95: {  	s3 =	sld [smem:$0x3FFD];
	_ =	sdelay $0x3  }
0x96: {  	_ =	strace s3  }
0x97: {  	_ =	strace $0x8FFFFFFF  }
0x98: {  	s19 =	sld [smem:$0x3FDB];
	_ =	sdelay $0x1  }
0x99: {  	s4 =	simm.s32 $_scs_section_size  }
0x9a: {  	s5 =	simm.s32 $_size__tile_overlayer_lowered;
	s6 =	simm.s32 $_tile_overlayer_lowered  }
0x9b: {  	s22 =	simm.s32 $0x1BFF;
	s21 =	sshll.u32 s6, $0x1;
	s3 =	sadd.s32 s4, s19  }
0x9c: {  	s7 =	simm.s32 $0x0;
	s20 =	sshll.u32 s5, $0x1;
	s5 =	sadd.s32 s21, s3  }
0x9d: {  	[timem:s7], [sflag:s22] =	dma.local [hbm:s5], s20  }
0x9e: {  	_ =	swait.ge [sflag:s22], s20  }
0x9f: {  	s4 =	ssub.s32 $0x0, s20;
	[sflag:s22] =	ssyncset.done $0x0  }
0xa0: {  	[sflag:s22] =	ssyncadd.s32 s4;
	_ =	sdelay $0x1  }
0xa1: {  	s23 =	simm.s32 $0x1B8B  }
0xa2: {  	_ =	swait.ge [sflag:s23], $0x1  }
0xa3: {  	[sflag:s23] =	ssyncset.done $0x0  }
0xa4: {  	s25 =	simm.s32 $0x1B8E;
	s24 =	sld [smem:$0x3FFE];
	[sflag:s23] =	ssyncadd.s32 $0xFFFFFFFF  }
0xa5: {  	s26 =	simm.s32 $execute0_lowered;
	[smem:$0x3FD2] =	sst s25  }
0xa6: {  	s5 =	sshll.u32 s26, $0x1;
	_ =	strace $0x80000046;
	[dreg:$0x1] =	wrdreg $0xFFFFFFFF  }
0xa7: {  	s28 =	simm.s32 $_size_execute0_lowered;
	s3 =	sadd.s32 s3, s5;
	[dreg:$0x0] =	wrdreg $0x0  }
0xa8: {  	s5 =	sshll.u32 s28, $0x1;
	[dreg:$0x2] =	wrdreg s3  }
0xa9: {  	[dreg:$0x3] =	wrdreg s5  }
0xaa: {  	[dreg:$0x4] =	wrdreg $0xC0  }
0xab: {  	_ =	task [dreg:s7], $0x5FFFF  }
0xac: {  	[dreg:$0x1] =	wrdreg $0xFFFFFFFF  }
0xad: {  	[dreg:$0x0] =	wrdreg $0x60  }
0xae: {  	[dreg:$0x2] =	wrdreg s24  }
0xaf: {  	[dreg:$0x3] =	wrdreg s2  }
0xb0: {  	[dreg:$0x4] =	wrdreg $0x9  }
0xb1: {  	_ =	task.clear_ibuf [dreg:s7], $0x5FFFF;
	_ =	strace $0x90000046  }
0xb2: {  	s29 =	simm.s32 $0x9;
	_ =	strace $0x80000048  }
0xb3: {  	_ =	swait.ge [sflag:s29], $0x1  }
0xb4: {  	[sflag:s29] =	ssyncadd.s32 $0xFFFFFFFF  }
0xb5: {  	_ =	strace $0x90000048  }
0xb6: {  	_ =	sfence  }
0xb7: {  	s30 =	sld [smem:$0x0];
	_ =	sdelay $0x2  }
0xb8: {  	s31 =	sshll.u32 s1, $0xD;
	s1 =	sshrl.u32 s1, $0x2  }
0xb9: {  	s3 =	sand.u32 $0x4000, s31;
	s1 =	sadd.s32 s1, s30  }
0xba: {  	s0 =	sor.u32 s3, s0;
	s1 =	sshll.u32 s1, $0x11  }
0xbb: {  	s0 =	sor.u32 s1, s0  }
0xbc: {  	s0 =	sadd.s32 $0x8F2B, s0  }
0xbd: {  	[sflag:s0] =	ssyncadd.remote.s32 $0x1  }
0xbe: {  	_ =	sfence.sel $0xFFFF  }
0xbf: {  	[dreg:$0x0] =	wrdreg $0xFFFFFFFF;
	(pc) =	sbr.abs _section_cstart, $3  }
0xc0: {  	[dreg:$0x1] =	wrdreg $0xFFFFFFFF  }
0xc1: {  	_ =	task.clear_ibuf [dreg:s7], $0x2FFFF;
	_ =	strace $0x9FFFFFFF  }
0xc2: {  	(tm) =	ssettm $0x7FFFFFFF  }
0xc3: {  	_ =	shalt  }
tec
execute0_lowered:
.L_overlay_start_1:
0x0: {  	(tag) =	ssettag $0x1  }
0x1: {  	s1 =	srdreg.scid  }
0x2: {  	s0 =	stileid.u32;
	s4 =	rddreg [dreg:$0x0]  }
0x3: {  	s5 =	rddreg [dreg:$0x1];
	s2 =	simm.s32 $0x0;
	s11 =	simm.s32 $0x100  }
0x4: {  	s12 =	simm.s32 $0x9C00;
	s13 =	simm.s32 $0x180;
	s14 =	simm.s32 $0xDC00  }
0x5: {  	s15 =	simm.s32 $0x200;
	s16 =	simm.s32 $0x11C00;
	s17 =	simm.s32 $0x1  }
0x6: {  	s18 =	simm.s32 $0x2;
	s19 =	simm.s32 $0x3;
	s20 =	simm.s32 $0x4  }
0x7: {  	s21 =	simm.s32 $0x5;
	s22 =	simm.s32 $0x6;
	s23 =	simm.s32 $0x7  }
0x8: {  	s24 =	simm.s32 $0x8;
	s25 =	simm.s32 $0x9;
	s26 =	simm.s32 $0xA  }
0x9: {  	s28 =	simm.s32 $0x0;
	s3 =	sand.u32 $0x1, s1;
	s30 =	sshll.u32 s0, $0x1  }
0xa: {  	[smem:$0x7FF] =	sst s2;
	s7 =	smul.u32 $0x32000, s0;
	s6 =	sor.u32 s3, s30  }
0xb: {  	_ =	strace $0x80000047;
	s8 =	ssub.s32 $0x2, s3;
	s9 =	smul.u32 $0x19000, s3  }
.Ltmp0:
0xc: {  	s3 =	sadd.s32 $0xC00, s4;
	s10 =	sshrl.u32 s8, $0x1;
	(pc) =	sbr.rel .LBB2_1-.Ltmp0, $4  }
0xd: {  	s6 =	smul.u32 $0x380, s6;
	s5 =	sadd.s32 s7, s5;
	s31 =	ssub.s32 s8, s10  }
0xe: {  	s7 =	sadd.s32 s9, s5;
	s8 =	simm.s32 $0x80;
	s9 =	simm.s32 $0x1C00  }
0xf: {  	s10 =	simm.s32 $0x5C00;
	s4 =	sadd.s32 s6, s4;
	s5 =	smax.u32 s31, $0x1  }
0x10: {  	s6 =	sadd.s32 $0x2000, s7;
	s7 =	simm.s32 $0xB;
	s4 =	sadd.s32 $0x47200, s4  }
.LBB2_4:
0x11: {  	_ =	swait.ge [sflag:s23], $0x4000  }
0x12: {  	[sflag:s23] =	ssyncset.done $0x0  }
0x13: {  	[sflag:s23] =	ssyncadd.s32 $0xFFFFC000  }
0x14: {  	_ =	swait.ge [sflag:s24], $0x4000  }
0x15: {  	[sflag:s24] =	ssyncset.done $0x0  }
0x16: {  	s28 =	sadd.s32 $0x1, s28;
	[sflag:s24] =	ssyncadd.s32 $0xFFFFC000  }
0x17: {  	p0 =	sne.s32 s28, s5;
	_ =	swait.ge [sflag:s25], $0x4000  }
.Ltmp1:
0x18: {  	[sflag:s25] =	ssyncset.done $0x0;
	(pc) =	sbr.rel @!p0 .LBB2_5-.Ltmp1, $4  }
0x19: {  	[sflag:s25] =	ssyncadd.s32 $0xFFFFC000  }
0x1a: {  	_ =	swait.ge [sflag:s26], $0x4000  }
0x1b: {  	[sflag:s26] =	ssyncset.done $0x0  }
0x1c: {  	[sflag:s26] =	ssyncadd.s32 $0xFFFFC000  }
.LBB2_1:
0x1d: {  	[tilespmem:s2], [sflag:$0xB] =	stream.linear.gather [hbm4b:s4+s2], $0x1900, $0x38;
	[tilespmem:$0x15C00] =	vst v63  }
0x1e: {  	_ =	swait.ge [sflag:s7], $0x1900  }
0x1f: {  	[sflag:s7] =	ssyncset.done $0x0  }
0x20: {  	[sflag:s7] =	ssyncadd.s32 $0xFFFFE700  }
0x21: {  	[tilespmem:s9], [sflag:$0x1] =	stream.indirect.gather [hbm4b:s3+s8], $0x80, s2, s8, $0xb8;
	[tilespmem:$0x15C00] =	vst v63  }
0x22: {  	_ = 	snop  }
0x23: {  	[tilespmem:s10], [sflag:$0x2] =	stream.indirect.gather [hbm4b:s3+s8], $0x80, s8, s8, $0xb8;
	[tilespmem:$0x15C00] =	vst v63  }
0x24: {  	_ = 	snop  }
0x25: {  	[tilespmem:s12], [sflag:$0x3] =	stream.indirect.gather [hbm4b:s3+s8], $0x80, s11, s8, $0xb8;
	[tilespmem:$0x15C00] =	vst v63  }
0x26: {  	_ = 	snop  }
0x27: {  	[tilespmem:s14], [sflag:$0x4] =	stream.indirect.gather [hbm4b:s3+s8], $0x80, s13, s8, $0xb8;
	[tilespmem:$0x15C00] =	vst v63  }
0x28: {  	s29 =	smov.u32 s6;
	s30 =	simm.s32 $0x0  }
0x29: {  	[tilespmem:s16], [sflag:$0x5] =	stream.indirect.gather [hbm4b:s3+s8], $0x80, s15, s8, $0xb8;
	[tilespmem:$0x15C00] =	vst v63  }
.LBB2_2:
0x2a: {  	_ =	swait.ge [sflag:s17], $0x4000  }
0x2b: {  	[sflag:s17] =	ssyncset.done $0x0  }
0x2c: {  	s31 =	sadd.s32 $0xFFFFE000, s29;
	[sflag:s17] =	ssyncadd.s32 $0xFFFFC000  }
0x2d: {  	[hbm4b:s31+s2] =	stream.linear.scatter [tilespmem:s9], [sflag:$0x6], $0x4000, $0x38;
	[tilespmem:$0x15C00] =	vst v63  }
0x2e: {  	_ =	swait.ge [sflag:s18], $0x4000  }
0x2f: {  	[sflag:s18] =	ssyncset.done $0x0  }
0x30: {  	s1 =	sadd.s32 $0xFFFFE800, s29;
	[sflag:s18] =	ssyncadd.s32 $0xFFFFC000  }
0x31: {  	[hbm4b:s1+s2] =	stream.linear.scatter [tilespmem:s10], [sflag:$0x7], $0x4000, $0x38;
	[tilespmem:$0x15C00] =	vst v63  }
0x32: {  	_ =	swait.ge [sflag:s19], $0x4000  }
0x33: {  	[sflag:s19] =	ssyncset.done $0x0  }
0x34: {  	s1 =	sadd.s32 $0xFFFFF000, s29;
	[sflag:s19] =	ssyncadd.s32 $0xFFFFC000  }
0x35: {  	[hbm4b:s1+s2] =	stream.linear.scatter [tilespmem:s12], [sflag:$0x8], $0x4000, $0x38;
	[tilespmem:$0x15C00] =	vst v63  }
0x36: {  	_ =	swait.ge [sflag:s20], $0x4000  }
0x37: {  	[sflag:s20] =	ssyncset.done $0x0  }
0x38: {  	s1 =	sadd.s32 $0xFFFFF800, s29;
	[sflag:s20] =	ssyncadd.s32 $0xFFFFC000  }
0x39: {  	[hbm4b:s1+s2] =	stream.linear.scatter [tilespmem:s14], [sflag:$0x9], $0x4000, $0x38;
	[tilespmem:$0x15C00] =	vst v63  }
0x3a: {  	_ =	swait.ge [sflag:s21], $0x4000  }
0x3b: {  	p0 =	seq.s32 s30, $0x5A00;
	[sflag:s21] =	ssyncset.done $0x0  }
.Ltmp2:
0x3c: {  	[sflag:s21] =	ssyncadd.s32 $0xFFFFC000;
	(pc) =	sbr.rel @p0 .LBB2_4-.Ltmp2, $4  }
0x3d: {  	[hbm4b:s29+s2] =	stream.linear.scatter [tilespmem:s16], [sflag:$0xA], $0x4000, $0x38;
	[tilespmem:$0x15C00] =	vst v63  }
0x3e: {  	_ =	swait.ge [sflag:s22], $0x4000  }
0x3f: {  	[sflag:s22] =	ssyncset.done $0x0  }
0x40: {  	[sflag:s22] =	ssyncadd.s32 $0xFFFFC000  }
0x41: {  	s31 =	sshra.s32 s30, $0x2  }
0x42: {  	s1 =	sadd.s32 $0x280, s31  }
0x43: {  	[tilespmem:s9], [sflag:$0x1] =	stream.indirect.gather [hbm4b:s3+s8], $0x80, s1, s8, $0xb8;
	[tilespmem:$0x15C00] =	vst v63  }
0x44: {  	_ =	swait.ge [sflag:s23], $0x4000  }
0x45: {  	[sflag:s23] =	ssyncset.done $0x0  }
0x46: {  	s1 =	sadd.s32 $0x300, s31;
	[sflag:s23] =	ssyncadd.s32 $0xFFFFC000  }
0x47: {  	[tilespmem:s10], [sflag:$0x2] =	stream.indirect.gather [hbm4b:s3+s8], $0x80, s1, s8, $0xb8;
	[tilespmem:$0x15C00] =	vst v63  }
0x48: {  	_ =	swait.ge [sflag:s24], $0x4000  }
0x49: {  	[sflag:s24] =	ssyncset.done $0x0  }
0x4a: {  	s1 =	sadd.s32 $0x380, s31;
	[sflag:s24] =	ssyncadd.s32 $0xFFFFC000  }
0x4b: {  	[tilespmem:s12], [sflag:$0x3] =	stream.indirect.gather [hbm4b:s3+s8], $0x80, s1, s8, $0xb8;
	[tilespmem:$0x15C00] =	vst v63  }
0x4c: {  	_ =	swait.ge [sflag:s25], $0x4000  }
0x4d: {  	[sflag:s25] =	ssyncset.done $0x0  }
0x4e: {  	s1 =	sadd.s32 $0x400, s31;
	[sflag:s25] =	ssyncadd.s32 $0xFFFFC000  }
0x4f: {  	[tilespmem:s14], [sflag:$0x4] =	stream.indirect.gather [hbm4b:s3+s8], $0x80, s1, s8, $0xb8;
	[tilespmem:$0x15C00] =	vst v63  }
.Ltmp3:
0x50: {  	_ = 	snop;
	(pc) =	sbr.rel .LBB2_2-.Ltmp3, $4  }
0x51: {  	_ =	swait.ge [sflag:s26], $0x4000  }
0x52: {  	s30 =	sadd.s32 $0xA00, s30;
	[sflag:s26] =	ssyncset.done $0x0  }
0x53: {  	s29 =	sadd.s32 $0x2800, s29;
	s31 =	sadd.s32 $0x480, s31;
	[sflag:s26] =	ssyncadd.s32 $0xFFFFC000  }
0x54: {  	[tilespmem:s16], [sflag:$0x5] =	stream.indirect.gather [hbm4b:s3+s8], $0x80, s31, s8, $0xb8;
	[tilespmem:$0x15C00] =	vst v63  }
.LBB2_5:
0x55: {  	_ =	sfence.sel $0x180000  }
0x56: {  	[bflag:$0x0] =	sbarrier.arrive $0xFFFF  }
0x57: {  	_ =	strace $0x90000047  }
0x58: {  	[bflag:$0x2] =	sbarrier.arrive $0xFFFF  }
0x59: {  	p0 =	sne.s32 s0, $0x0;
	s0 =	rddreg [dreg:$0x2]  }
0x5a: {  	s0 =	sadd.s32 @!p0 $0x100000, s0  }
0x5b: {  	[sflag:s0] =	ssyncadd.tile.s32 @!p0 $0x1;
	_ =	shalt  }
.Lfunc_end2:
_tile_overlayer_lowered:
.L_overlay_start_2:
0x5c: {  	(tag) =	ssettag $0x2  }
0x5d: {  	s0 =	rddreg [dreg:$0x0];
	s2 =	stileid.u32  }
0x5e: {  	s1 =	rddreg [dreg:$0x1];
	p0 =	sne.s32 s2, $0x0  }
0x5f: {  	s3 =	rddreg [dreg:$0x2];
	[bflag:$0x3] =	sbarrier.arrive $0xFFFF;
	s2 =	simm.s32 @!p0 $0x1C0B  }
0x60: {  	[timem:s3], [sflag:s2] =	dma.local @!p0 [hbm:s0], s1  }
0x61: {  	s0 =	simm.s32 @!p0 $0xB  }
0x62: {  	_ =	swait.ge @!p0 [sflag:s0], s1  }
0x63: {  	s1 =	ssub.s32 @!p0 $0x0, s1;
	[sflag:s0] =	ssyncset.done @!p0 $0x0  }
0x64: {  	[sflag:s0] =	ssyncadd.s32 @!p0 s1  }
0x65: {  	[bflag:$0x3] =	sbarrier.arrive $0xFFFF  }
0x66: {  	_ =	shalt  }

</sc_bundles>
